<compile_context>
chip_gen: v7x
topology: tpu7x:2x2x1
jax: 0.10.2.dev20260603
libtpu: 0.0.44.dev20260713+nightly
codegen_flags: <defaults>
</compile_context>

<pallas_src>
import jax
import jax.numpy as jnp
from jax import lax
from jax.experimental import pallas as pl
from jax.experimental.pallas import tpu as pltpu
from jax.experimental.pallas import tpu_sc as plsc

B, D, H, W, M = 32, 2, 128, 128, 128
HW = H * W
L = 16
B_PER = 2
CH = M // L
NROW = B_PER * D


def _body(flat_hbm, ind_hbm, mask_hbm, targ_hbm, out_hbm,
          ind_v, mask_v, tidx_v, ppred_v, tpred_v, part_v, zero_i,
          acc_v, out_v, part_s, sem, isem, msem):
    c = lax.axis_index("c")
    s = lax.axis_index("s")
    iota = lax.iota(jnp.int32, L)

    @pl.when(c == 0)
    def _work():
        w = s
        b0 = w * B_PER
        ind_cp = pltpu.async_copy(
            ind_hbm.at[pl.ds(b0 * M, B_PER * M)], ind_v, isem)
        mask_cp = pltpu.async_copy(
            mask_hbm.at[pl.ds(b0 * M, B_PER * M)], mask_v, msem)
        zero_i[...] = jnp.zeros((L,), jnp.int32)

        @pl.when(w == 0)
        def _init():
            part_v[0, pl.ds(0, L)] = jnp.zeros((L,), jnp.float32)
            pltpu.sync_copy(part_v, part_s)
        plsc.subcore_barrier()

        for j in range(B_PER):
            for d in range(D):
                tbase = (b0 + j) * (M * D) + d
                for cc in range(CH):
                    tv = D * iota + (tbase + D * cc * L)
                    tidx_v[pl.ds((j * D + d) * M + cc * L, L)] = tv
        tcp = pltpu.async_copy(targ_hbm.at[tidx_v], tpred_v, sem)

        ind_cp.wait()
        pcps = [
            pltpu.async_copy(
                flat_hbm.at[pl.ds((b0 + j) * (D * HW) + d * HW, HW)]
                .at[ind_v.at[pl.ds(j * M, M)]],
                ppred_v.at[pl.ds((j * D + d) * M, M)], sem)
            for j in range(B_PER) for d in range(D)
        ]

        mask_cp.wait()
        msum = jnp.zeros((L,), jnp.float32)
        mv = []
        for j in range(B_PER):
            for cc in range(CH):
                m = mask_v[pl.ds(j * M + cc * L, L)].astype(jnp.float32)
                mv.append(m)
                msum = msum + m
        tcp.wait()
        for cp in pcps:
            cp.wait()

        acc = [jnp.zeros((L,), jnp.float32) for _ in range(D)]
        for j in range(B_PER):
            for cc in range(CH):
                m = mv[j * CH + cc]
                for d in range(D):
                    p = ppred_v[pl.ds((j * D + d) * M + cc * L, L)]
                    tg = tpred_v[pl.ds((j * D + d) * M + cc * L, L)]
                    acc[d] = acc[d] + m * jnp.abs(p - tg)

        t0 = jnp.float32(0.0)
        t1 = jnp.float32(0.0)
        tm = jnp.float32(0.0)
        for i in range(L):
            t0 = t0 + acc[0][i]
            t1 = t1 + acc[1][i]
            tm = tm + msum[i]
        packed = jnp.where(iota == 0, t0,
                           jnp.where(iota == 1, t1,
                                     jnp.where(iota == 2, tm,
                                               jnp.float32(0.0))))

        part_v[0, pl.ds(0, L)] = packed
        pltpu.sync_copy(part_v, part_s.at[zero_i.at[pl.ds(0, 1)]], add=True)
        plsc.subcore_barrier()

        @pl.when(w == 0)
        def _final():
            pltpu.sync_copy(part_s.at[0], acc_v)
            tot = acc_v[pl.ds(0, L)]
            denom = jnp.full((L,), tot[2] + jnp.float32(0.0001),
                             jnp.float32)
            num = jnp.where(iota >= D, jnp.float32(0.0), tot)
            out_v[...] = num / denom
            pltpu.sync_copy(out_v.at[pl.ds(0, D)], out_hbm)


@jax.jit
def _reg_loss_sc(flat, ind, mask, targ):
    mesh = plsc.VectorSubcoreMesh(
        core_axis_name="c", subcore_axis_name="s", num_cores=1,
        num_subcores=16)
    f = pl.kernel(
        _body,
        out_type=jax.ShapeDtypeStruct((D,), jnp.float32),
        mesh=mesh,
        scratch_types=[
            pltpu.VMEM((B_PER * M,), jnp.int32),
            pltpu.VMEM((B_PER * M,), jnp.int32),
            pltpu.VMEM((NROW * M,), jnp.int32),
            pltpu.VMEM((NROW * M,), jnp.float32),
            pltpu.VMEM((NROW * M,), jnp.float32),
            pltpu.VMEM((1, L), jnp.float32),
            pltpu.VMEM((L,), jnp.int32),
            pltpu.VMEM((L,), jnp.float32),
            pltpu.VMEM((L,), jnp.float32),
            pltpu.VMEM_SHARED((1, L), jnp.float32),
            pltpu.SemaphoreType.DMA,
            pltpu.SemaphoreType.DMA,
            pltpu.SemaphoreType.DMA,
        ],
    )
    return f(flat, ind, mask, targ)


def kernel(output, mask, ind, target):
    flat = output.reshape(-1)
    ind32 = ind.reshape(-1).astype(jnp.int32)
    mask32 = mask.reshape(-1).astype(jnp.int32)
    targf = target.reshape(-1)
    return _reg_loss_sc(flat, ind32, mask32, targf)

# --- scband reference (transcript-rebuilt; emitter-appended) ---
"""Pipeline reference for scband-reg-loss-65154653880845 (READ-ONLY COPY).

The authoritative reference and input builder live on the scoring server;
editing this copy changes nothing except your own understanding.
"""

import jax, jax.numpy as jnp
import numpy as np


def setup_inputs(seed: int = 0) -> dict:
    key = jax.random.key(seed)
    k1, k2, k3, k4 = jax.random.split(key, 4)
    B, D, H, W = 32, 2, 128, 128
    M = 128
    output = jax.random.normal(k1, (B, D, H, W), dtype=jnp.float32)
    mask = jax.random.randint(k2, (B, M), 0, 2, dtype=jnp.int64)
    ind = jax.random.randint(k3, (B, M), 0, H * W, dtype=jnp.int64)
    target = jax.random.normal(k4, (B, M, D), dtype=jnp.float32)
    return {"output": output, "mask": mask, "ind": ind, "target": target}


def reference(output, mask, ind, target):
    B, D, H, W = output.shape
    # permute(0,2,3,1) then flatten spatial dims -> [B, H*W, D]
    feat = jnp.transpose(output, (0, 2, 3, 1)).reshape(B, H * W, D)
    # gather along dim 1 with ind expanded over feature dim
    pred = jnp.take_along_axis(feat, ind[:, :, None], axis=1)  # [B, M, D]
    maskf = mask.astype(jnp.float32)[:, :, None]  # [B, M, 1]
    loss = jnp.abs(pred * maskf - target * maskf)  # l1_loss reduction='none'
    loss = loss / (maskf.sum() + 0.0001)
    # transpose(2,0): [D, M, B]; sum over B then over M -> [D]
    loss = jnp.transpose(loss, (2, 1, 0)).sum(axis=2).sum(axis=1)
    return loss

if __name__ == "__main__":
    import jax
    _d = setup_inputs()
    print(jax.jit(kernel)(*tuple(_d.values())))

</pallas_src>

<mosaic_0001>
#map = affine_map<(d0, d1) -> (0)>
module attributes {stable_mosaic.version = 14 : i64} {
  func.func @_body(%arg0: i32, %arg1: i32, %arg2: memref<1048576xf32, #tpu.memory_space<hbm>>, %arg3: memref<4096xi32, #tpu.memory_space<hbm>>, %arg4: memref<4096xi32, #tpu.memory_space<hbm>>, %arg5: memref<8192xf32, #tpu.memory_space<hbm>>, %arg6: memref<2xf32, #tpu.memory_space<hbm>>, %arg7: memref<256xi32, #tpu.memory_space<vmem>>, %arg8: memref<256xi32, #tpu.memory_space<vmem>>, %arg9: memref<512xi32, #tpu.memory_space<vmem>>, %arg10: memref<512xf32, #tpu.memory_space<vmem>>, %arg11: memref<512xf32, #tpu.memory_space<vmem>>, %arg12: memref<1x16xf32, #tpu.memory_space<vmem>>, %arg13: memref<16xi32, #tpu.memory_space<vmem>>, %arg14: memref<16xf32, #tpu.memory_space<vmem>>, %arg15: memref<16xf32, #tpu.memory_space<vmem>>, %arg16: memref<1x16xf32, #tpu.memory_space<vmem_shared>>, %arg17: memref<!tpu.dma_semaphore, #tpu.memory_space<semaphore_mem>>, %arg18: memref<!tpu.dma_semaphore, #tpu.memory_space<semaphore_mem>>, %arg19: memref<!tpu.dma_semaphore, #tpu.memory_space<semaphore_mem>>) attributes {dimension_semantics = [#tpu.dimension_semantics<core_parallel>, #tpu.dimension_semantics<subcore_parallel>], iteration_bounds = array<i64: 1, 16>, scalar_prefetch = 0 : i64, scratch_operands = 13 : i64, tpu.core_type = #tpu.core_type<sc_vector_subcore>, window_params = [{transform_indices = #map}, {transform_indices = #map}, {transform_indices = #map}, {transform_indices = #map}, {transform_indices = #map}]} {
    %iota3A = tpu.iota {dimensions = array<i32: 0>} : vector<16xi32>
    %eq3A = arith.constant 0 : i32
    %eq3A_0 = arith.cmpi eq, %arg0, %eq3A : i32
    %convert_element_type3A = arith.extui %eq3A_0 : i1 to i32
    %cond3A = arith.constant 0 : i32
    %cond3A_1 = arith.cmpi ne, %convert_element_type3A, %cond3A : i32
    scf.if %cond3A_1 {
      %mul3A = arith.constant 2 : i32
      %mul3A_2 = arith.muli %arg1, %mul3A : i32
      %mul3A_3 = arith.constant 128 : i32
      %mul3A_4 = arith.muli %mul3A_2, %mul3A_3 : i32
      %dma_start3A = tpu.memref_slice %arg3[%mul3A_4] : memref<4096xi32, #tpu.memory_space<hbm>> -> memref<256xi32, #tpu.memory_space<hbm>>
      %dma_start3A_5 = tpu.memref_slice %arg3[%mul3A_4] : memref<4096xi32, #tpu.memory_space<hbm>> -> memref<256xi32, #tpu.memory_space<hbm>>
      tpu.enqueue_dma source(%dma_start3A_5 : memref<256xi32, #tpu.memory_space<hbm>>) target(%arg7 : memref<256xi32, #tpu.memory_space<vmem>>) target_semaphore(%arg18 : memref<!tpu.dma_semaphore, #tpu.memory_space<semaphore_mem>>)
      %mul3A_6 = arith.constant 128 : i32
      %mul3A_7 = arith.muli %mul3A_2, %mul3A_6 : i32
      %dma_start3A_8 = tpu.memref_slice %arg4[%mul3A_7] : memref<4096xi32, #tpu.memory_space<hbm>> -> memref<256xi32, #tpu.memory_space<hbm>>
      %dma_start3A_9 = tpu.memref_slice %arg4[%mul3A_7] : memref<4096xi32, #tpu.memory_space<hbm>> -> memref<256xi32, #tpu.memory_space<hbm>>
      tpu.enqueue_dma source(%dma_start3A_9 : memref<256xi32, #tpu.memory_space<hbm>>) target(%arg8 : memref<256xi32, #tpu.memory_space<vmem>>) target_semaphore(%arg19 : memref<!tpu.dma_semaphore, #tpu.memory_space<semaphore_mem>>)
      %broadcast_in_dim3A = arith.constant 0 : i32
      %broadcast_in_dim3A_10 = vector.broadcast %broadcast_in_dim3A : i32 to vector<16xi32>
      %swap3A = arith.constant 0 : index
      %swap3A_11 = tpu.vector_load %arg13[%swap3A] {strides = array<i32>} : memref<16xi32, #tpu.memory_space<vmem>>, vector<16xi32>,
      %swap3A_12 = vector.shape_cast %swap3A_11 : vector<16xi32> to vector<16xi32>
      %swap3A_13 = vector.shape_cast %broadcast_in_dim3A_10 : vector<16xi32> to vector<16xi32>
      tpu.vector_store %arg13[%swap3A], %swap3A_13 {strides = array<i32>} : memref<16xi32, #tpu.memory_space<vmem>>, vector<16xi32>,
      %eq3A_14 = arith.constant 0 : i32
      %eq3A_15 = arith.cmpi eq, %arg1, %eq3A_14 : i32
      %convert_element_type3A_16 = arith.extui %eq3A_15 : i1 to i32
      %cond3A_17 = arith.constant 0 : i32
      %cond3A_18 = arith.cmpi ne, %convert_element_type3A_16, %cond3A_17 : i32
      scf.if %cond3A_18 {
        %broadcast_in_dim3A_1056 = arith.constant 0.000000e+00 : f32
        %broadcast_in_dim3A_1057 = vector.broadcast %broadcast_in_dim3A_1056 : f32 to vector<16xf32>
        %swap3A_1058 = arith.constant 0 : i32
        %swap3A_1059 = arith.index_cast %swap3A_1058 : i32 to index
        %swap3A_1060 = arith.constant 0 : index
        %swap3A_1061 = tpu.vector_load %arg12[%swap3A_1059, %swap3A_1060] {strides = array<i32>} : memref<1x16xf32, #tpu.memory_space<vmem>>, vector<1x16xf32>,
        %swap3A_1062 = vector.shape_cast %swap3A_1061 : vector<1x16xf32> to vector<16xf32>
        %swap3A_1063 = vector.shape_cast %broadcast_in_dim3A_1057 : vector<16xf32> to vector<1x16xf32>
        tpu.vector_store %arg12[%swap3A_1059, %swap3A_1060], %swap3A_1063 {strides = array<i32>} : memref<1x16xf32, #tpu.memory_space<vmem>>, vector<1x16xf32>,
        "tpu.region"() ({
          %run_scoped3A = tpu.sem_alloc : memref<!tpu.dma_semaphore, #tpu.memory_space<semaphore_mem>>
          tpu.enqueue_dma source(%arg12 : memref<1x16xf32, #tpu.memory_space<vmem>>) target(%arg16 : memref<1x16xf32, #tpu.memory_space<vmem_shared>>) target_semaphore(%run_scoped3A : memref<!tpu.dma_semaphore, #tpu.memory_space<semaphore_mem>>)
          tpu.wait_dma2 semaphore(%run_scoped3A : memref<!tpu.dma_semaphore, #tpu.memory_space<semaphore_mem>>) src(%arg12 : memref<1x16xf32, #tpu.memory_space<vmem>>) dst(%arg16 : memref<1x16xf32, #tpu.memory_space<vmem_shared>>)
          tpu.yield
        }) : () -> ()
      } else {
      }
      %barrier3A = arith.constant 0 : index
      tpu.barrier barrier_id(%barrier3A)
      %add3A = arith.constant 0 : i32
      %add3A_19 = arith.addi %mul3A_2, %add3A : i32
      %mul3A_20 = arith.constant 256 : i32
      %mul3A_21 = arith.muli %add3A_19, %mul3A_20 : i32
      %add3A_22 = arith.constant 0 : i32
      %add3A_23 = arith.addi %mul3A_21, %add3A_22 : i32
      %mul3A_24 = arith.constant 2 : i32
      %mul3A_25 = vector.broadcast %mul3A_24 : i32 to vector<16xi32>
      %mul3A_26 = arith.muli %mul3A_25, %iota3A : vector<16xi32>
      %add3A_27 = arith.constant 0 : i32
      %add3A_28 = arith.addi %add3A_23, %add3A_27 : i32
      %add3A_29 = vector.broadcast %add3A_28 : i32 to vector<16xi32>
      %add3A_30 = arith.addi %mul3A_26, %add3A_29 : vector<16xi32>
      %swap3A_31 = arith.constant 0 : index
      %swap3A_32 = tpu.vector_load %arg9[%swap3A_31] {strides = array<i32>} : memref<512xi32, #tpu.memory_space<vmem>>, vector<16xi32>,
      %swap3A_33 = vector.shape_cast %swap3A_32 : vector<16xi32> to vector<16xi32>
      %swap3A_34 = vector.shape_cast %add3A_30 : vector<16xi32> to vector<16xi32>
      tpu.vector_store %arg9[%swap3A_31], %swap3A_34 {strides = array<i32>} : memref<512xi32, #tpu.memory_space<vmem>>, vector<16xi32>,
      %mul3A_35 = arith.constant 2 : i32
      %mul3A_36 = vector.broadcast %mul3A_35 : i32 to vector<16xi32>
      %mul3A_37 = arith.muli %mul3A_36, %iota3A : vector<16xi32>
      %add3A_38 = arith.constant 32 : i32
      %add3A_39 = arith.addi %add3A_23, %add3A_38 : i32
      %add3A_40 = vector.broadcast %add3A_39 : i32 to vector<16xi32>
      %add3A_41 = arith.addi %mul3A_37, %add3A_40 : vector<16xi32>
      %swap3A_42 = arith.constant 16 : index
      %swap3A_43 = tpu.vector_load %arg9[%swap3A_42] {strides = array<i32>} : memref<512xi32, #tpu.memory_space<vmem>>, vector<16xi32>,
      %swap3A_44 = vector.shape_cast %swap3A_43 : vector<16xi32> to vector<16xi32>
      %swap3A_45 = vector.shape_cast %add3A_41 : vector<16xi32> to vector<16xi32>
      tpu.vector_store %arg9[%swap3A_42], %swap3A_45 {strides = array<i32>} : memref<512xi32, #tpu.memory_space<vmem>>, vector<16xi32>,
      %mul3A_46 = arith.constant 2 : i32
      %mul3A_47 = vector.broadcast %mul3A_46 : i32 to vector<16xi32>
      %mul3A_48 = arith.muli %mul3A_47, %iota3A : vector<16xi32>
      %add3A_49 = arith.constant 64 : i32
      %add3A_50 = arith.addi %add3A_23, %add3A_49 : i32
      %add3A_51 = vector.broadcast %add3A_50 : i32 to vector<16xi32>
      %add3A_52 = arith.addi %mul3A_48, %add3A_51 : vector<16xi32>
      %swap3A_53 = arith.constant 32 : index
      %swap3A_54 = tpu.vector_load %arg9[%swap3A_53] {strides = array<i32>} : memref<512xi32, #tpu.memory_space<vmem>>, vector<16xi32>,
      %swap3A_55 = vector.shape_cast %swap3A_54 : vector<16xi32> to vector<16xi32>
      %swap3A_56 = vector.shape_cast %add3A_52 : vector<16xi32> to vector<16xi32>
      tpu.vector_store %arg9[%swap3A_53], %swap3A_56 {strides = array<i32>} : memref<512xi32, #tpu.memory_space<vmem>>, vector<16xi32>,
      %mul3A_57 = arith.constant 2 : i32
      %mul3A_58 = vector.broadcast %mul3A_57 : i32 to vector<16xi32>
      %mul3A_59 = arith.muli %mul3A_58, %iota3A : vector<16xi32>
      %add3A_60 = arith.constant 96 : i32
      %add3A_61 = arith.addi %add3A_23, %add3A_60 : i32
      %add3A_62 = vector.broadcast %add3A_61 : i32 to vector<16xi32>
      %add3A_63 = arith.addi %mul3A_59, %add3A_62 : vector<16xi32>
      %swap3A_64 = arith.constant 48 : index
      %swap3A_65 = tpu.vector_load %arg9[%swap3A_64] {strides = array<i32>} : memref<512xi32, #tpu.memory_space<vmem>>, vector<16xi32>,
      %swap3A_66 = vector.shape_cast %swap3A_65 : vector<16xi32> to vector<16xi32>
      %swap3A_67 = vector.shape_cast %add3A_63 : vector<16xi32> to vector<16xi32>
      tpu.vector_store %arg9[%swap3A_64], %swap3A_67 {strides = array<i32>} : memref<512xi32, #tpu.memory_space<vmem>>, vector<16xi32>,
      %mul3A_68 = arith.constant 2 : i32
      %mul3A_69 = vector.broadcast %mul3A_68 : i32 to vector<16xi32>
      %mul3A_70 = arith.muli %mul3A_69, %iota3A : vector<16xi32>
      %add3A_71 = arith.constant 128 : i32
      %add3A_72 = arith.addi %add3A_23, %add3A_71 : i32
      %add3A_73 = vector.broadcast %add3A_72 : i32 to vector<16xi32>
      %add3A_74 = arith.addi %mul3A_70, %add3A_73 : vector<16xi32>
      %swap3A_75 = arith.constant 64 : index
      %swap3A_76 = tpu.vector_load %arg9[%swap3A_75] {strides = array<i32>} : memref<512xi32, #tpu.memory_space<vmem>>, vector<16xi32>,
      %swap3A_77 = vector.shape_cast %swap3A_76 : vector<16xi32> to vector<16xi32>
      %swap3A_78 = vector.shape_cast %add3A_74 : vector<16xi32> to vector<16xi32>
      tpu.vector_store %arg9[%swap3A_75], %swap3A_78 {strides = array<i32>} : memref<512xi32, #tpu.memory_space<vmem>>, vector<16xi32>,
      %mul3A_79 = arith.constant 2 : i32
      %mul3A_80 = vector.broadcast %mul3A_79 : i32 to vector<16xi32>
      %mul3A_81 = arith.muli %mul3A_80, %iota3A : vector<16xi32>
      %add3A_82 = arith.constant 160 : i32
      %add3A_83 = arith.addi %add3A_23, %add3A_82 : i32
      %add3A_84 = vector.broadcast %add3A_83 : i32 to vector<16xi32>
      %add3A_85 = arith.addi %mul3A_81, %add3A_84 : vector<16xi32>
      %swap3A_86 = arith.constant 80 : index
      %swap3A_87 = tpu.vector_load %arg9[%swap3A_86] {strides = array<i32>} : memref<512xi32, #tpu.memory_space<vmem>>, vector<16xi32>,
      %swap3A_88 = vector.shape_cast %swap3A_87 : vector<16xi32> to vector<16xi32>
      %swap3A_89 = vector.shape_cast %add3A_85 : vector<16xi32> to vector<16xi32>
      tpu.vector_store %arg9[%swap3A_86], %swap3A_89 {strides = array<i32>} : memref<512xi32, #tpu.memory_space<vmem>>, vector<16xi32>,
      %mul3A_90 = arith.constant 2 : i32
      %mul3A_91 = vector.broadcast %mul3A_90 : i32 to vector<16xi32>
      %mul3A_92 = arith.muli %mul3A_91, %iota3A : vector<16xi32>
      %add3A_93 = arith.constant 192 : i32
      %add3A_94 = arith.addi %add3A_23, %add3A_93 : i32
      %add3A_95 = vector.broadcast %add3A_94 : i32 to vector<16xi32>
      %add3A_96 = arith.addi %mul3A_92, %add3A_95 : vector<16xi32>
      %swap3A_97 = arith.constant 96 : index
      %swap3A_98 = tpu.vector_load %arg9[%swap3A_97] {strides = array<i32>} : memref<512xi32, #tpu.memory_space<vmem>>, vector<16xi32>,
      %swap3A_99 = vector.shape_cast %swap3A_98 : vector<16xi32> to vector<16xi32>
      %swap3A_100 = vector.shape_cast %add3A_96 : vector<16xi32> to vector<16xi32>
      tpu.vector_store %arg9[%swap3A_97], %swap3A_100 {strides = array<i32>} : memref<512xi32, #tpu.memory_space<vmem>>, vector<16xi32>,
      %mul3A_101 = arith.constant 2 : i32
      %mul3A_102 = vector.broadcast %mul3A_101 : i32 to vector<16xi32>
      %mul3A_103 = arith.muli %mul3A_102, %iota3A : vector<16xi32>
      %add3A_104 = arith.constant 224 : i32
      %add3A_105 = arith.addi %add3A_23, %add3A_104 : i32
      %add3A_106 = vector.broadcast %add3A_105 : i32 to vector<16xi32>
      %add3A_107 = arith.addi %mul3A_103, %add3A_106 : vector<16xi32>
      %swap3A_108 = arith.constant 112 : index
      %swap3A_109 = tpu.vector_load %arg9[%swap3A_108] {strides = array<i32>} : memref<512xi32, #tpu.memory_space<vmem>>, vector<16xi32>,
      %swap3A_110 = vector.shape_cast %swap3A_109 : vector<16xi32> to vector<16xi32>
      %swap3A_111 = vector.shape_cast %add3A_107 : vector<16xi32> to vector<16xi32>
      tpu.vector_store %arg9[%swap3A_108], %swap3A_111 {strides = array<i32>} : memref<512xi32, #tpu.memory_space<vmem>>, vector<16xi32>,
      %add3A_112 = arith.constant 0 : i32
      %add3A_113 = arith.addi %mul3A_2, %add3A_112 : i32
      %mul3A_114 = arith.constant 256 : i32
      %mul3A_115 = arith.muli %add3A_113, %mul3A_114 : i32
      %add3A_116 = arith.constant 1 : i32
      %add3A_117 = arith.addi %mul3A_115, %add3A_116 : i32
      %mul3A_118 = arith.constant 2 : i32
      %mul3A_119 = vector.broadcast %mul3A_118 : i32 to vector<16xi32>
      %mul3A_120 = arith.muli %mul3A_119, %iota3A : vector<16xi32>
      %add3A_121 = arith.constant 0 : i32
      %add3A_122 = arith.addi %add3A_117, %add3A_121 : i32
      %add3A_123 = vector.broadcast %add3A_122 : i32 to vector<16xi32>
      %add3A_124 = arith.addi %mul3A_120, %add3A_123 : vector<16xi32>
      %swap3A_125 = arith.constant 128 : index
      %swap3A_126 = tpu.vector_load %arg9[%swap3A_125] {strides = array<i32>} : memref<512xi32, #tpu.memory_space<vmem>>, vector<16xi32>,
      %swap3A_127 = vector.shape_cast %swap3A_126 : vector<16xi32> to vector<16xi32>
      %swap3A_128 = vector.shape_cast %add3A_124 : vector<16xi32> to vector<16xi32>
      tpu.vector_store %arg9[%swap3A_125], %swap3A_128 {strides = array<i32>} : memref<512xi32, #tpu.memory_space<vmem>>, vector<16xi32>,
      %mul3A_129 = arith.constant 2 : i32
      %mul3A_130 = vector.broadcast %mul3A_129 : i32 to vector<16xi32>
      %mul3A_131 = arith.muli %mul3A_130, %iota3A : vector<16xi32>
      %add3A_132 = arith.constant 32 : i32
      %add3A_133 = arith.addi %add3A_117, %add3A_132 : i32
      %add3A_134 = vector.broadcast %add3A_133 : i32 to vector<16xi32>
      %add3A_135 = arith.addi %mul3A_131, %add3A_134 : vector<16xi32>
      %swap3A_136 = arith.constant 144 : index
      %swap3A_137 = tpu.vector_load %arg9[%swap3A_136] {strides = array<i32>} : memref<512xi32, #tpu.memory_space<vmem>>, vector<16xi32>,
      %swap3A_138 = vector.shape_cast %swap3A_137 : vector<16xi32> to vector<16xi32>
      %swap3A_139 = vector.shape_cast %add3A_135 : vector<16xi32> to vector<16xi32>
      tpu.vector_store %arg9[%swap3A_136], %swap3A_139 {strides = array<i32>} : memref<512xi32, #tpu.memory_space<vmem>>, vector<16xi32>,
      %mul3A_140 = arith.constant 2 : i32
      %mul3A_141 = vector.broadcast %mul3A_140 : i32 to vector<16xi32>
      %mul3A_142 = arith.muli %mul3A_141, %iota3A : vector<16xi32>
      %add3A_143 = arith.constant 64 : i32
      %add3A_144 = arith.addi %add3A_117, %add3A_143 : i32
      %add3A_145 = vector.broadcast %add3A_144 : i32 to vector<16xi32>
      %add3A_146 = arith.addi %mul3A_142, %add3A_145 : vector<16xi32>
      %swap3A_147 = arith.constant 160 : index
      %swap3A_148 = tpu.vector_load %arg9[%swap3A_147] {strides = array<i32>} : memref<512xi32, #tpu.memory_space<vmem>>, vector<16xi32>,
      %swap3A_149 = vector.shape_cast %swap3A_148 : vector<16xi32> to vector<16xi32>
      %swap3A_150 = vector.shape_cast %add3A_146 : vector<16xi32> to vector<16xi32>
      tpu.vector_store %arg9[%swap3A_147], %swap3A_150 {strides = array<i32>} : memref<512xi32, #tpu.memory_space<vmem>>, vector<16xi32>,
      %mul3A_151 = arith.constant 2 : i32
      %mul3A_152 = vector.broadcast %mul3A_151 : i32 to vector<16xi32>
      %mul3A_153 = arith.muli %mul3A_152, %iota3A : vector<16xi32>
      %add3A_154 = arith.constant 96 : i32
      %add3A_155 = arith.addi %add3A_117, %add3A_154 : i32
      %add3A_156 = vector.broadcast %add3A_155 : i32 to vector<16xi32>
      %add3A_157 = arith.addi %mul3A_153, %add3A_156 : vector<16xi32>
      %swap3A_158 = arith.constant 176 : index
      %swap3A_159 = tpu.vector_load %arg9[%swap3A_158] {strides = array<i32>} : memref<512xi32, #tpu.memory_space<vmem>>, vector<16xi32>,
      %swap3A_160 = vector.shape_cast %swap3A_159 : vector<16xi32> to vector<16xi32>
      %swap3A_161 = vector.shape_cast %add3A_157 : vector<16xi32> to vector<16xi32>
      tpu.vector_store %arg9[%swap3A_158], %swap3A_161 {strides = array<i32>} : memref<512xi32, #tpu.memory_space<vmem>>, vector<16xi32>,
      %mul3A_162 = arith.constant 2 : i32
      %mul3A_163 = vector.broadcast %mul3A_162 : i32 to vector<16xi32>
      %mul3A_164 = arith.muli %mul3A_163, %iota3A : vector<16xi32>
      %add3A_165 = arith.constant 128 : i32
      %add3A_166 = arith.addi %add3A_117, %add3A_165 : i32
      %add3A_167 = vector.broadcast %add3A_166 : i32 to vector<16xi32>
      %add3A_168 = arith.addi %mul3A_164, %add3A_167 : vector<16xi32>
      %swap3A_169 = arith.constant 192 : index
      %swap3A_170 = tpu.vector_load %arg9[%swap3A_169] {strides = array<i32>} : memref<512xi32, #tpu.memory_space<vmem>>, vector<16xi32>,
      %swap3A_171 = vector.shape_cast %swap3A_170 : vector<16xi32> to vector<16xi32>
      %swap3A_172 = vector.shape_cast %add3A_168 : vector<16xi32> to vector<16xi32>
      tpu.vector_store %arg9[%swap3A_169], %swap3A_172 {strides = array<i32>} : memref<512xi32, #tpu.memory_space<vmem>>, vector<16xi32>,
      %mul3A_173 = arith.constant 2 : i32
      %mul3A_174 = vector.broadcast %mul3A_173 : i32 to vector<16xi32>
      %mul3A_175 = arith.muli %mul3A_174, %iota3A : vector<16xi32>
      %add3A_176 = arith.constant 160 : i32
      %add3A_177 = arith.addi %add3A_117, %add3A_176 : i32
      %add3A_178 = vector.broadcast %add3A_177 : i32 to vector<16xi32>
      %add3A_179 = arith.addi %mul3A_175, %add3A_178 : vector<16xi32>
      %swap3A_180 = arith.constant 208 : index
      %swap3A_181 = tpu.vector_load %arg9[%swap3A_180] {strides = array<i32>} : memref<512xi32, #tpu.memory_space<vmem>>, vector<16xi32>,
      %swap3A_182 = vector.shape_cast %swap3A_181 : vector<16xi32> to vector<16xi32>
      %swap3A_183 = vector.shape_cast %add3A_179 : vector<16xi32> to vector<16xi32>
      tpu.vector_store %arg9[%swap3A_180], %swap3A_183 {strides = array<i32>} : memref<512xi32, #tpu.memory_space<vmem>>, vector<16xi32>,
      %mul3A_184 = arith.constant 2 : i32
      %mul3A_185 = vector.broadcast %mul3A_184 : i32 to vector<16xi32>
      %mul3A_186 = arith.muli %mul3A_185, %iota3A : vector<16xi32>
      %add3A_187 = arith.constant 192 : i32
      %add3A_188 = arith.addi %add3A_117, %add3A_187 : i32
      %add3A_189 = vector.broadcast %add3A_188 : i32 to vector<16xi32>
      %add3A_190 = arith.addi %mul3A_186, %add3A_189 : vector<16xi32>
      %swap3A_191 = arith.constant 224 : index
      %swap3A_192 = tpu.vector_load %arg9[%swap3A_191] {strides = array<i32>} : memref<512xi32, #tpu.memory_space<vmem>>, vector<16xi32>,
      %swap3A_193 = vector.shape_cast %swap3A_192 : vector<16xi32> to vector<16xi32>
      %swap3A_194 = vector.shape_cast %add3A_190 : vector<16xi32> to vector<16xi32>
      tpu.vector_store %arg9[%swap3A_191], %swap3A_194 {strides = array<i32>} : memref<512xi32, #tpu.memory_space<vmem>>, vector<16xi32>,
      %mul3A_195 = arith.constant 2 : i32
      %mul3A_196 = vector.broadcast %mul3A_195 : i32 to vector<16xi32>
      %mul3A_197 = arith.muli %mul3A_196, %iota3A : vector<16xi32>
      %add3A_198 = arith.constant 224 : i32
      %add3A_199 = arith.addi %add3A_117, %add3A_198 : i32
      %add3A_200 = vector.broadcast %add3A_199 : i32 to vector<16xi32>
      %add3A_201 = arith.addi %mul3A_197, %add3A_200 : vector<16xi32>
      %swap3A_202 = arith.constant 240 : index
      %swap3A_203 = tpu.vector_load %arg9[%swap3A_202] {strides = array<i32>} : memref<512xi32, #tpu.memory_space<vmem>>, vector<16xi32>,
      %swap3A_204 = vector.shape_cast %swap3A_203 : vector<16xi32> to vector<16xi32>
      %swap3A_205 = vector.shape_cast %add3A_201 : vector<16xi32> to vector<16xi32>
      tpu.vector_store %arg9[%swap3A_202], %swap3A_205 {strides = array<i32>} : memref<512xi32, #tpu.memory_space<vmem>>, vector<16xi32>,
      %add3A_206 = arith.constant 1 : i32
      %add3A_207 = arith.addi %mul3A_2, %add3A_206 : i32
      %mul3A_208 = arith.constant 256 : i32
      %mul3A_209 = arith.muli %add3A_207, %mul3A_208 : i32
      %add3A_210 = arith.constant 0 : i32
      %add3A_211 = arith.addi %mul3A_209, %add3A_210 : i32
      %mul3A_212 = arith.constant 2 : i32
      %mul3A_213 = vector.broadcast %mul3A_212 : i32 to vector<16xi32>
      %mul3A_214 = arith.muli %mul3A_213, %iota3A : vector<16xi32>
      %add3A_215 = arith.constant 0 : i32
      %add3A_216 = arith.addi %add3A_211, %add3A_215 : i32
      %add3A_217 = vector.broadcast %add3A_216 : i32 to vector<16xi32>
      %add3A_218 = arith.addi %mul3A_214, %add3A_217 : vector<16xi32>
      %swap3A_219 = arith.constant 256 : index
      %swap3A_220 = tpu.vector_load %arg9[%swap3A_219] {strides = array<i32>} : memref<512xi32, #tpu.memory_space<vmem>>, vector<16xi32>,
      %swap3A_221 = vector.shape_cast %swap3A_220 : vector<16xi32> to vector<16xi32>
      %swap3A_222 = vector.shape_cast %add3A_218 : vector<16xi32> to vector<16xi32>
      tpu.vector_store %arg9[%swap3A_219], %swap3A_222 {strides = array<i32>} : memref<512xi32, #tpu.memory_space<vmem>>, vector<16xi32>,
      %mul3A_223 = arith.constant 2 : i32
      %mul3A_224 = vector.broadcast %mul3A_223 : i32 to vector<16xi32>
      %mul3A_225 = arith.muli %mul3A_224, %iota3A : vector<16xi32>
      %add3A_226 = arith.constant 32 : i32
      %add3A_227 = arith.addi %add3A_211, %add3A_226 : i32
      %add3A_228 = vector.broadcast %add3A_227 : i32 to vector<16xi32>
      %add3A_229 = arith.addi %mul3A_225, %add3A_228 : vector<16xi32>
      %swap3A_230 = arith.constant 272 : index
      %swap3A_231 = tpu.vector_load %arg9[%swap3A_230] {strides = array<i32>} : memref<512xi32, #tpu.memory_space<vmem>>, vector<16xi32>,
      %swap3A_232 = vector.shape_cast %swap3A_231 : vector<16xi32> to vector<16xi32>
      %swap3A_233 = vector.shape_cast %add3A_229 : vector<16xi32> to vector<16xi32>
      tpu.vector_store %arg9[%swap3A_230], %swap3A_233 {strides = array<i32>} : memref<512xi32, #tpu.memory_space<vmem>>, vector<16xi32>,
      %mul3A_234 = arith.constant 2 : i32
      %mul3A_235 = vector.broadcast %mul3A_234 : i32 to vector<16xi32>
      %mul3A_236 = arith.muli %mul3A_235, %iota3A : vector<16xi32>
      %add3A_237 = arith.constant 64 : i32
      %add3A_238 = arith.addi %add3A_211, %add3A_237 : i32
      %add3A_239 = vector.broadcast %add3A_238 : i32 to vector<16xi32>
      %add3A_240 = arith.addi %mul3A_236, %add3A_239 : vector<16xi32>
      %swap3A_241 = arith.constant 288 : index
      %swap3A_242 = tpu.vector_load %arg9[%swap3A_241] {strides = array<i32>} : memref<512xi32, #tpu.memory_space<vmem>>, vector<16xi32>,
      %swap3A_243 = vector.shape_cast %swap3A_242 : vector<16xi32> to vector<16xi32>
      %swap3A_244 = vector.shape_cast %add3A_240 : vector<16xi32> to vector<16xi32>
      tpu.vector_store %arg9[%swap3A_241], %swap3A_244 {strides = array<i32>} : memref<512xi32, #tpu.memory_space<vmem>>, vector<16xi32>,
      %mul3A_245 = arith.constant 2 : i32
      %mul3A_246 = vector.broadcast %mul3A_245 : i32 to vector<16xi32>
      %mul3A_247 = arith.muli %mul3A_246, %iota3A : vector<16xi32>
      %add3A_248 = arith.constant 96 : i32
      %add3A_249 = arith.addi %add3A_211, %add3A_248 : i32
      %add3A_250 = vector.broadcast %add3A_249 : i32 to vector<16xi32>
      %add3A_251 = arith.addi %mul3A_247, %add3A_250 : vector<16xi32>
      %swap3A_252 = arith.constant 304 : index
      %swap3A_253 = tpu.vector_load %arg9[%swap3A_252] {strides = array<i32>} : memref<512xi32, #tpu.memory_space<vmem>>, vector<16xi32>,
      %swap3A_254 = vector.shape_cast %swap3A_253 : vector<16xi32> to vector<16xi32>
      %swap3A_255 = vector.shape_cast %add3A_251 : vector<16xi32> to vector<16xi32>
      tpu.vector_store %arg9[%swap3A_252], %swap3A_255 {strides = array<i32>} : memref<512xi32, #tpu.memory_space<vmem>>, vector<16xi32>,
      %mul3A_256 = arith.constant 2 : i32
      %mul3A_257 = vector.broadcast %mul3A_256 : i32 to vector<16xi32>
      %mul3A_258 = arith.muli %mul3A_257, %iota3A : vector<16xi32>
      %add3A_259 = arith.constant 128 : i32
      %add3A_260 = arith.addi %add3A_211, %add3A_259 : i32
      %add3A_261 = vector.broadcast %add3A_260 : i32 to vector<16xi32>
      %add3A_262 = arith.addi %mul3A_258, %add3A_261 : vector<16xi32>
      %swap3A_263 = arith.constant 320 : index
      %swap3A_264 = tpu.vector_load %arg9[%swap3A_263] {strides = array<i32>} : memref<512xi32, #tpu.memory_space<vmem>>, vector<16xi32>,
      %swap3A_265 = vector.shape_cast %swap3A_264 : vector<16xi32> to vector<16xi32>
      %swap3A_266 = vector.shape_cast %add3A_262 : vector<16xi32> to vector<16xi32>
      tpu.vector_store %arg9[%swap3A_263], %swap3A_266 {strides = array<i32>} : memref<512xi32, #tpu.memory_space<vmem>>, vector<16xi32>,
      %mul3A_267 = arith.constant 2 : i32
      %mul3A_268 = vector.broadcast %mul3A_267 : i32 to vector<16xi32>
      %mul3A_269 = arith.muli %mul3A_268, %iota3A : vector<16xi32>
      %add3A_270 = arith.constant 160 : i32
      %add3A_271 = arith.addi %add3A_211, %add3A_270 : i32
      %add3A_272 = vector.broadcast %add3A_271 : i32 to vector<16xi32>
      %add3A_273 = arith.addi %mul3A_269, %add3A_272 : vector<16xi32>
      %swap3A_274 = arith.constant 336 : index
      %swap3A_275 = tpu.vector_load %arg9[%swap3A_274] {strides = array<i32>} : memref<512xi32, #tpu.memory_space<vmem>>, vector<16xi32>,
      %swap3A_276 = vector.shape_cast %swap3A_275 : vector<16xi32> to vector<16xi32>
      %swap3A_277 = vector.shape_cast %add3A_273 : vector<16xi32> to vector<16xi32>
      tpu.vector_store %arg9[%swap3A_274], %swap3A_277 {strides = array<i32>} : memref<512xi32, #tpu.memory_space<vmem>>, vector<16xi32>,
      %mul3A_278 = arith.constant 2 : i32
      %mul3A_279 = vector.broadcast %mul3A_278 : i32 to vector<16xi32>
      %mul3A_280 = arith.muli %mul3A_279, %iota3A : vector<16xi32>
      %add3A_281 = arith.constant 192 : i32
      %add3A_282 = arith.addi %add3A_211, %add3A_281 : i32
      %add3A_283 = vector.broadcast %add3A_282 : i32 to vector<16xi32>
      %add3A_284 = arith.addi %mul3A_280, %add3A_283 : vector<16xi32>
      %swap3A_285 = arith.constant 352 : index
      %swap3A_286 = tpu.vector_load %arg9[%swap3A_285] {strides = array<i32>} : memref<512xi32, #tpu.memory_space<vmem>>, vector<16xi32>,
      %swap3A_287 = vector.shape_cast %swap3A_286 : vector<16xi32> to vector<16xi32>
      %swap3A_288 = vector.shape_cast %add3A_284 : vector<16xi32> to vector<16xi32>
      tpu.vector_store %arg9[%swap3A_285], %swap3A_288 {strides = array<i32>} : memref<512xi32, #tpu.memory_space<vmem>>, vector<16xi32>,
      %mul3A_289 = arith.constant 2 : i32
      %mul3A_290 = vector.broadcast %mul3A_289 : i32 to vector<16xi32>
      %mul3A_291 = arith.muli %mul3A_290, %iota3A : vector<16xi32>
      %add3A_292 = arith.constant 224 : i32
      %add3A_293 = arith.addi %add3A_211, %add3A_292 : i32
      %add3A_294 = vector.broadcast %add3A_293 : i32 to vector<16xi32>
      %add3A_295 = arith.addi %mul3A_291, %add3A_294 : vector<16xi32>
      %swap3A_296 = arith.constant 368 : index
      %swap3A_297 = tpu.vector_load %arg9[%swap3A_296] {strides = array<i32>} : memref<512xi32, #tpu.memory_space<vmem>>, vector<16xi32>,
      %swap3A_298 = vector.shape_cast %swap3A_297 : vector<16xi32> to vector<16xi32>
      %swap3A_299 = vector.shape_cast %add3A_295 : vector<16xi32> to vector<16xi32>
      tpu.vector_store %arg9[%swap3A_296], %swap3A_299 {strides = array<i32>} : memref<512xi32, #tpu.memory_space<vmem>>, vector<16xi32>,
      %add3A_300 = arith.constant 1 : i32
      %add3A_301 = arith.addi %mul3A_2, %add3A_300 : i32
      %mul3A_302 = arith.constant 256 : i32
      %mul3A_303 = arith.muli %add3A_301, %mul3A_302 : i32
      %add3A_304 = arith.constant 1 : i32
      %add3A_305 = arith.addi %mul3A_303, %add3A_304 : i32
      %mul3A_306 = arith.constant 2 : i32
      %mul3A_307 = vector.broadcast %mul3A_306 : i32 to vector<16xi32>
      %mul3A_308 = arith.muli %mul3A_307, %iota3A : vector<16xi32>
      %add3A_309 = arith.constant 0 : i32
      %add3A_310 = arith.addi %add3A_305, %add3A_309 : i32
      %add3A_311 = vector.broadcast %add3A_310 : i32 to vector<16xi32>
      %add3A_312 = arith.addi %mul3A_308, %add3A_311 : vector<16xi32>
      %swap3A_313 = arith.constant 384 : index
      %swap3A_314 = tpu.vector_load %arg9[%swap3A_313] {strides = array<i32>} : memref<512xi32, #tpu.memory_space<vmem>>, vector<16xi32>,
      %swap3A_315 = vector.shape_cast %swap3A_314 : vector<16xi32> to vector<16xi32>
      %swap3A_316 = vector.shape_cast %add3A_312 : vector<16xi32> to vector<16xi32>
      tpu.vector_store %arg9[%swap3A_313], %swap3A_316 {strides = array<i32>} : memref<512xi32, #tpu.memory_space<vmem>>, vector<16xi32>,
      %mul3A_317 = arith.constant 2 : i32
      %mul3A_318 = vector.broadcast %mul3A_317 : i32 to vector<16xi32>
      %mul3A_319 = arith.muli %mul3A_318, %iota3A : vector<16xi32>
      %add3A_320 = arith.constant 32 : i32
      %add3A_321 = arith.addi %add3A_305, %add3A_320 : i32
      %add3A_322 = vector.broadcast %add3A_321 : i32 to vector<16xi32>
      %add3A_323 = arith.addi %mul3A_319, %add3A_322 : vector<16xi32>
      %swap3A_324 = arith.constant 400 : index
      %swap3A_325 = tpu.vector_load %arg9[%swap3A_324] {strides = array<i32>} : memref<512xi32, #tpu.memory_space<vmem>>, vector<16xi32>,
      %swap3A_326 = vector.shape_cast %swap3A_325 : vector<16xi32> to vector<16xi32>
      %swap3A_327 = vector.shape_cast %add3A_323 : vector<16xi32> to vector<16xi32>
      tpu.vector_store %arg9[%swap3A_324], %swap3A_327 {strides = array<i32>} : memref<512xi32, #tpu.memory_space<vmem>>, vector<16xi32>,
      %mul3A_328 = arith.constant 2 : i32
      %mul3A_329 = vector.broadcast %mul3A_328 : i32 to vector<16xi32>
      %mul3A_330 = arith.muli %mul3A_329, %iota3A : vector<16xi32>
      %add3A_331 = arith.constant 64 : i32
      %add3A_332 = arith.addi %add3A_305, %add3A_331 : i32
      %add3A_333 = vector.broadcast %add3A_332 : i32 to vector<16xi32>
      %add3A_334 = arith.addi %mul3A_330, %add3A_333 : vector<16xi32>
      %swap3A_335 = arith.constant 416 : index
      %swap3A_336 = tpu.vector_load %arg9[%swap3A_335] {strides = array<i32>} : memref<512xi32, #tpu.memory_space<vmem>>, vector<16xi32>,
      %swap3A_337 = vector.shape_cast %swap3A_336 : vector<16xi32> to vector<16xi32>
      %swap3A_338 = vector.shape_cast %add3A_334 : vector<16xi32> to vector<16xi32>
      tpu.vector_store %arg9[%swap3A_335], %swap3A_338 {strides = array<i32>} : memref<512xi32, #tpu.memory_space<vmem>>, vector<16xi32>,
      %mul3A_339 = arith.constant 2 : i32
      %mul3A_340 = vector.broadcast %mul3A_339 : i32 to vector<16xi32>
      %mul3A_341 = arith.muli %mul3A_340, %iota3A : vector<16xi32>
      %add3A_342 = arith.constant 96 : i32
      %add3A_343 = arith.addi %add3A_305, %add3A_342 : i32
      %add3A_344 = vector.broadcast %add3A_343 : i32 to vector<16xi32>
      %add3A_345 = arith.addi %mul3A_341, %add3A_344 : vector<16xi32>
      %swap3A_346 = arith.constant 432 : index
      %swap3A_347 = tpu.vector_load %arg9[%swap3A_346] {strides = array<i32>} : memref<512xi32, #tpu.memory_space<vmem>>, vector<16xi32>,
      %swap3A_348 = vector.shape_cast %swap3A_347 : vector<16xi32> to vector<16xi32>
      %swap3A_349 = vector.shape_cast %add3A_345 : vector<16xi32> to vector<16xi32>
      tpu.vector_store %arg9[%swap3A_346], %swap3A_349 {strides = array<i32>} : memref<512xi32, #tpu.memory_space<vmem>>, vector<16xi32>,
      %mul3A_350 = arith.constant 2 : i32
      %mul3A_351 = vector.broadcast %mul3A_350 : i32 to vector<16xi32>
      %mul3A_352 = arith.muli %mul3A_351, %iota3A : vector<16xi32>
      %add3A_353 = arith.constant 128 : i32
      %add3A_354 = arith.addi %add3A_305, %add3A_353 : i32
      %add3A_355 = vector.broadcast %add3A_354 : i32 to vector<16xi32>
      %add3A_356 = arith.addi %mul3A_352, %add3A_355 : vector<16xi32>
      %swap3A_357 = arith.constant 448 : index
      %swap3A_358 = tpu.vector_load %arg9[%swap3A_357] {strides = array<i32>} : memref<512xi32, #tpu.memory_space<vmem>>, vector<16xi32>,
      %swap3A_359 = vector.shape_cast %swap3A_358 : vector<16xi32> to vector<16xi32>
      %swap3A_360 = vector.shape_cast %add3A_356 : vector<16xi32> to vector<16xi32>
      tpu.vector_store %arg9[%swap3A_357], %swap3A_360 {strides = array<i32>} : memref<512xi32, #tpu.memory_space<vmem>>, vector<16xi32>,
      %mul3A_361 = arith.constant 2 : i32
      %mul3A_362 = vector.broadcast %mul3A_361 : i32 to vector<16xi32>
      %mul3A_363 = arith.muli %mul3A_362, %iota3A : vector<16xi32>
      %add3A_364 = arith.constant 160 : i32
      %add3A_365 = arith.addi %add3A_305, %add3A_364 : i32
      %add3A_366 = vector.broadcast %add3A_365 : i32 to vector<16xi32>
      %add3A_367 = arith.addi %mul3A_363, %add3A_366 : vector<16xi32>
      %swap3A_368 = arith.constant 464 : index
      %swap3A_369 = tpu.vector_load %arg9[%swap3A_368] {strides = array<i32>} : memref<512xi32, #tpu.memory_space<vmem>>, vector<16xi32>,
      %swap3A_370 = vector.shape_cast %swap3A_369 : vector<16xi32> to vector<16xi32>
      %swap3A_371 = vector.shape_cast %add3A_367 : vector<16xi32> to vector<16xi32>
      tpu.vector_store %arg9[%swap3A_368], %swap3A_371 {strides = array<i32>} : memref<512xi32, #tpu.memory_space<vmem>>, vector<16xi32>,
      %mul3A_372 = arith.constant 2 : i32
      %mul3A_373 = vector.broadcast %mul3A_372 : i32 to vector<16xi32>
      %mul3A_374 = arith.muli %mul3A_373, %iota3A : vector<16xi32>
      %add3A_375 = arith.constant 192 : i32
      %add3A_376 = arith.addi %add3A_305, %add3A_375 : i32
      %add3A_377 = vector.broadcast %add3A_376 : i32 to vector<16xi32>
      %add3A_378 = arith.addi %mul3A_374, %add3A_377 : vector<16xi32>
      %swap3A_379 = arith.constant 480 : index
      %swap3A_380 = tpu.vector_load %arg9[%swap3A_379] {strides = array<i32>} : memref<512xi32, #tpu.memory_space<vmem>>, vector<16xi32>,
      %swap3A_381 = vector.shape_cast %swap3A_380 : vector<16xi32> to vector<16xi32>
      %swap3A_382 = vector.shape_cast %add3A_378 : vector<16xi32> to vector<16xi32>
      tpu.vector_store %arg9[%swap3A_379], %swap3A_382 {strides = array<i32>} : memref<512xi32, #tpu.memory_space<vmem>>, vector<16xi32>,
      %mul3A_383 = arith.constant 2 : i32
      %mul3A_384 = vector.broadcast %mul3A_383 : i32 to vector<16xi32>
      %mul3A_385 = arith.muli %mul3A_384, %iota3A : vector<16xi32>
      %add3A_386 = arith.constant 224 : i32
      %add3A_387 = arith.addi %add3A_305, %add3A_386 : i32
      %add3A_388 = vector.broadcast %add3A_387 : i32 to vector<16xi32>
      %add3A_389 = arith.addi %mul3A_385, %add3A_388 : vector<16xi32>
      %swap3A_390 = arith.constant 496 : index
      %swap3A_391 = tpu.vector_load %arg9[%swap3A_390] {strides = array<i32>} : memref<512xi32, #tpu.memory_space<vmem>>, vector<16xi32>,
      %swap3A_392 = vector.shape_cast %swap3A_391 : vector<16xi32> to vector<16xi32>
      %swap3A_393 = vector.shape_cast %add3A_389 : vector<16xi32> to vector<16xi32>
      tpu.vector_store %arg9[%swap3A_390], %swap3A_393 {strides = array<i32>} : memref<512xi32, #tpu.memory_space<vmem>>, vector<16xi32>,
      %dma_start3A_394 = arith.constant 0 : i32
      %dma_start3A_395 = tpu.memref_slice %arg5[%dma_start3A_394] : memref<8192xf32, #tpu.memory_space<hbm>> -> memref<8192xf32, #tpu.memory_space<hbm>>
      tpu.enqueue_indirect_dma source(%dma_start3A_395 : memref<8192xf32, #tpu.memory_space<hbm>>) target(%arg11 : memref<512xf32, #tpu.memory_space<vmem>>) offsets(%arg9 : memref<512xi32, #tpu.memory_space<vmem>>) semaphore(%arg17 : memref<!tpu.dma_semaphore, #tpu.memory_space<semaphore_mem>>)
      %dma_wait3A = tpu.memref_slice %arg3[%mul3A_4] : memref<4096xi32, #tpu.memory_space<hbm>> -> memref<256xi32, #tpu.memory_space<hbm>>
      %dma_wait3A_396 = tpu.memref_slice %arg3[%mul3A_4] : memref<4096xi32, #tpu.memory_space<hbm>> -> memref<256xi32, #tpu.memory_space<hbm>>
      tpu.wait_dma2 semaphore(%arg18 : memref<!tpu.dma_semaphore, #tpu.memory_space<semaphore_mem>>) src(%dma_wait3A_396 : memref<256xi32, #tpu.memory_space<hbm>>) dst(%arg7 : memref<256xi32, #tpu.memory_space<vmem>>)
      %add3A_397 = arith.constant 0 : i32
      %add3A_398 = arith.addi %mul3A_2, %add3A_397 : i32
      %mul3A_399 = arith.constant 32768 : i32
      %mul3A_400 = arith.muli %add3A_398, %mul3A_399 : i32
      %add3A_401 = arith.constant 0 : i32
      %add3A_402 = arith.addi %mul3A_400, %add3A_401 : i32
      %dma_start3A_403 = arith.constant 0 : i32
      %dma_start3A_404 = tpu.memref_slice %arg10[%dma_start3A_403] : memref<512xf32, #tpu.memory_space<vmem>> -> memref<128xf32, #tpu.memory_space<vmem>>
      %dma_start3A_405 = arith.constant 0 : i32
      %dma_start3A_406 = tpu.memref_slice %arg7[%dma_start3A_405] : memref<256xi32, #tpu.memory_space<vmem>> -> memref<128xi32, #tpu.memory_space<vmem>>
      %dma_start3A_407 = tpu.memref_slice %arg2[%add3A_402] : memref<1048576xf32, #tpu.memory_space<hbm>> -> memref<16384xf32, #tpu.memory_space<hbm>>
      %dma_start3A_408 = arith.constant 0 : i32
      %dma_start3A_409 = tpu.memref_slice %dma_start3A_407[%dma_start3A_408] : memref<16384xf32, #tpu.memory_space<hbm>> -> memref<16384xf32, #tpu.memory_space<hbm>>
      tpu.enqueue_indirect_dma source(%dma_start3A_409 : memref<16384xf32, #tpu.memory_space<hbm>>) target(%dma_start3A_404 : memref<128xf32, #tpu.memory_space<vmem>>) offsets(%dma_start3A_406 : memref<128xi32, #tpu.memory_space<vmem>>) semaphore(%arg17 : memref<!tpu.dma_semaphore, #tpu.memory_space<semaphore_mem>>)
      %add3A_410 = arith.constant 0 : i32
      %add3A_411 = arith.addi %mul3A_2, %add3A_410 : i32
      %mul3A_412 = arith.constant 32768 : i32
      %mul3A_413 = arith.muli %add3A_411, %mul3A_412 : i32
      %add3A_414 = arith.constant 16384 : i32
      %add3A_415 = arith.addi %mul3A_413, %add3A_414 : i32
      %dma_start3A_416 = arith.constant 128 : i32
      %dma_start3A_417 = tpu.memref_slice %arg10[%dma_start3A_416] : memref<512xf32, #tpu.memory_space<vmem>> -> memref<128xf32, #tpu.memory_space<vmem>>
      %dma_start3A_418 = arith.constant 0 : i32
      %dma_start3A_419 = tpu.memref_slice %arg7[%dma_start3A_418] : memref<256xi32, #tpu.memory_space<vmem>> -> memref<128xi32, #tpu.memory_space<vmem>>
      %dma_start3A_420 = tpu.memref_slice %arg2[%add3A_415] : memref<1048576xf32, #tpu.memory_space<hbm>> -> memref<16384xf32, #tpu.memory_space<hbm>>
      %dma_start3A_421 = arith.constant 0 : i32
      %dma_start3A_422 = tpu.memref_slice %dma_start3A_420[%dma_start3A_421] : memref<16384xf32, #tpu.memory_space<hbm>> -> memref<16384xf32, #tpu.memory_space<hbm>>
      tpu.enqueue_indirect_dma source(%dma_start3A_422 : memref<16384xf32, #tpu.memory_space<hbm>>) target(%dma_start3A_417 : memref<128xf32, #tpu.memory_space<vmem>>) offsets(%dma_start3A_419 : memref<128xi32, #tpu.memory_space<vmem>>) semaphore(%arg17 : memref<!tpu.dma_semaphore, #tpu.memory_space<semaphore_mem>>)
      %add3A_423 = arith.constant 1 : i32
      %add3A_424 = arith.addi %mul3A_2, %add3A_423 : i32
      %mul3A_425 = arith.constant 32768 : i32
      %mul3A_426 = arith.muli %add3A_424, %mul3A_425 : i32
      %add3A_427 = arith.constant 0 : i32
      %add3A_428 = arith.addi %mul3A_426, %add3A_427 : i32
      %dma_start3A_429 = arith.constant 256 : i32
      %dma_start3A_430 = tpu.memref_slice %arg10[%dma_start3A_429] : memref<512xf32, #tpu.memory_space<vmem>> -> memref<128xf32, #tpu.memory_space<vmem>>
      %dma_start3A_431 = arith.constant 128 : i32
      %dma_start3A_432 = tpu.memref_slice %arg7[%dma_start3A_431] : memref<256xi32, #tpu.memory_space<vmem>> -> memref<128xi32, #tpu.memory_space<vmem>>
      %dma_start3A_433 = tpu.memref_slice %arg2[%add3A_428] : memref<1048576xf32, #tpu.memory_space<hbm>> -> memref<16384xf32, #tpu.memory_space<hbm>>
      %dma_start3A_434 = arith.constant 0 : i32
      %dma_start3A_435 = tpu.memref_slice %dma_start3A_433[%dma_start3A_434] : memref<16384xf32, #tpu.memory_space<hbm>> -> memref<16384xf32, #tpu.memory_space<hbm>>
      tpu.enqueue_indirect_dma source(%dma_start3A_435 : memref<16384xf32, #tpu.memory_space<hbm>>) target(%dma_start3A_430 : memref<128xf32, #tpu.memory_space<vmem>>) offsets(%dma_start3A_432 : memref<128xi32, #tpu.memory_space<vmem>>) semaphore(%arg17 : memref<!tpu.dma_semaphore, #tpu.memory_space<semaphore_mem>>)
      %add3A_436 = arith.constant 1 : i32
      %add3A_437 = arith.addi %mul3A_2, %add3A_436 : i32
      %mul3A_438 = arith.constant 32768 : i32
      %mul3A_439 = arith.muli %add3A_437, %mul3A_438 : i32
      %add3A_440 = arith.constant 16384 : i32
      %add3A_441 = arith.addi %mul3A_439, %add3A_440 : i32
      %dma_start3A_442 = arith.constant 384 : i32
      %dma_start3A_443 = tpu.memref_slice %arg10[%dma_start3A_442] : memref<512xf32, #tpu.memory_space<vmem>> -> memref<128xf32, #tpu.memory_space<vmem>>
      %dma_start3A_444 = arith.constant 128 : i32
      %dma_start3A_445 = tpu.memref_slice %arg7[%dma_start3A_444] : memref<256xi32, #tpu.memory_space<vmem>> -> memref<128xi32, #tpu.memory_space<vmem>>
      %dma_start3A_446 = tpu.memref_slice %arg2[%add3A_441] : memref<1048576xf32, #tpu.memory_space<hbm>> -> memref<16384xf32, #tpu.memory_space<hbm>>
      %dma_start3A_447 = arith.constant 0 : i32
      %dma_start3A_448 = tpu.memref_slice %dma_start3A_446[%dma_start3A_447] : memref<16384xf32, #tpu.memory_space<hbm>> -> memref<16384xf32, #tpu.memory_space<hbm>>
      tpu.enqueue_indirect_dma source(%dma_start3A_448 : memref<16384xf32, #tpu.memory_space<hbm>>) target(%dma_start3A_443 : memref<128xf32, #tpu.memory_space<vmem>>) offsets(%dma_start3A_445 : memref<128xi32, #tpu.memory_space<vmem>>) semaphore(%arg17 : memref<!tpu.dma_semaphore, #tpu.memory_space<semaphore_mem>>)
      %dma_wait3A_449 = tpu.memref_slice %arg4[%mul3A_7] : memref<4096xi32, #tpu.memory_space<hbm>> -> memref<256xi32, #tpu.memory_space<hbm>>
      %dma_wait3A_450 = tpu.memref_slice %arg4[%mul3A_7] : memref<4096xi32, #tpu.memory_space<hbm>> -> memref<256xi32, #tpu.memory_space<hbm>>
      tpu.wait_dma2 semaphore(%arg19 : memref<!tpu.dma_semaphore, #tpu.memory_space<semaphore_mem>>) src(%dma_wait3A_450 : memref<256xi32, #tpu.memory_space<hbm>>) dst(%arg8 : memref<256xi32, #tpu.memory_space<vmem>>)
      %broadcast_in_dim3A_451 = arith.constant 0.000000e+00 : f32
      %broadcast_in_dim3A_452 = vector.broadcast %broadcast_in_dim3A_451 : f32 to vector<16xf32>
      %get3A = arith.constant 0 : index
      %get3A_453 = tpu.vector_load %arg8[%get3A] {strides = array<i32>} : memref<256xi32, #tpu.memory_space<vmem>>, vector<16xi32>,
      %get3A_454 = vector.shape_cast %get3A_453 : vector<16xi32> to vector<16xi32>
      %convert_element_type3A_455 = arith.sitofp %get3A_454 : vector<16xi32> to vector<16xf32>
      %add3A_456 = arith.addf %broadcast_in_dim3A_452, %convert_element_type3A_455 : vector<16xf32>
      %get3A_457 = arith.constant 16 : index
      %get3A_458 = tpu.vector_load %arg8[%get3A_457] {strides = array<i32>} : memref<256xi32, #tpu.memory_space<vmem>>, vector<16xi32>,
      %get3A_459 = vector.shape_cast %get3A_458 : vector<16xi32> to vector<16xi32>
      %convert_element_type3A_460 = arith.sitofp %get3A_459 : vector<16xi32> to vector<16xf32>
      %add3A_461 = arith.addf %add3A_456, %convert_element_type3A_460 : vector<16xf32>
      %get3A_462 = arith.constant 32 : index
      %get3A_463 = tpu.vector_load %arg8[%get3A_462] {strides = array<i32>} : memref<256xi32, #tpu.memory_space<vmem>>, vector<16xi32>,
      %get3A_464 = vector.shape_cast %get3A_463 : vector<16xi32> to vector<16xi32>
      %convert_element_type3A_465 = arith.sitofp %get3A_464 : vector<16xi32> to vector<16xf32>
      %add3A_466 = arith.addf %add3A_461, %convert_element_type3A_465 : vector<16xf32>
      %get3A_467 = arith.constant 48 : index
      %get3A_468 = tpu.vector_load %arg8[%get3A_467] {strides = array<i32>} : memref<256xi32, #tpu.memory_space<vmem>>, vector<16xi32>,
      %get3A_469 = vector.shape_cast %get3A_468 : vector<16xi32> to vector<16xi32>
      %convert_element_type3A_470 = arith.sitofp %get3A_469 : vector<16xi32> to vector<16xf32>
      %add3A_471 = arith.addf %add3A_466, %convert_element_type3A_470 : vector<16xf32>
      %get3A_472 = arith.constant 64 : index
      %get3A_473 = tpu.vector_load %arg8[%get3A_472] {strides = array<i32>} : memref<256xi32, #tpu.memory_space<vmem>>, vector<16xi32>,
      %get3A_474 = vector.shape_cast %get3A_473 : vector<16xi32> to vector<16xi32>
      %convert_element_type3A_475 = arith.sitofp %get3A_474 : vector<16xi32> to vector<16xf32>
      %add3A_476 = arith.addf %add3A_471, %convert_element_type3A_475 : vector<16xf32>
      %get3A_477 = arith.constant 80 : index
      %get3A_478 = tpu.vector_load %arg8[%get3A_477] {strides = array<i32>} : memref<256xi32, #tpu.memory_space<vmem>>, vector<16xi32>,
      %get3A_479 = vector.shape_cast %get3A_478 : vector<16xi32> to vector<16xi32>
      %convert_element_type3A_480 = arith.sitofp %get3A_479 : vector<16xi32> to vector<16xf32>
      %add3A_481 = arith.addf %add3A_476, %convert_element_type3A_480 : vector<16xf32>
      %get3A_482 = arith.constant 96 : index
      %get3A_483 = tpu.vector_load %arg8[%get3A_482] {strides = array<i32>} : memref<256xi32, #tpu.memory_space<vmem>>, vector<16xi32>,
      %get3A_484 = vector.shape_cast %get3A_483 : vector<16xi32> to vector<16xi32>
      %convert_element_type3A_485 = arith.sitofp %get3A_484 : vector<16xi32> to vector<16xf32>
      %add3A_486 = arith.addf %add3A_481, %convert_element_type3A_485 : vector<16xf32>
      %get3A_487 = arith.constant 112 : index
      %get3A_488 = tpu.vector_load %arg8[%get3A_487] {strides = array<i32>} : memref<256xi32, #tpu.memory_space<vmem>>, vector<16xi32>,
      %get3A_489 = vector.shape_cast %get3A_488 : vector<16xi32> to vector<16xi32>
      %convert_element_type3A_490 = arith.sitofp %get3A_489 : vector<16xi32> to vector<16xf32>
      %add3A_491 = arith.addf %add3A_486, %convert_element_type3A_490 : vector<16xf32>
      %get3A_492 = arith.constant 128 : index
      %get3A_493 = tpu.vector_load %arg8[%get3A_492] {strides = array<i32>} : memref<256xi32, #tpu.memory_space<vmem>>, vector<16xi32>,
      %get3A_494 = vector.shape_cast %get3A_493 : vector<16xi32> to vector<16xi32>
      %convert_element_type3A_495 = arith.sitofp %get3A_494 : vector<16xi32> to vector<16xf32>
      %add3A_496 = arith.addf %add3A_491, %convert_element_type3A_495 : vector<16xf32>
      %get3A_497 = arith.constant 144 : index
      %get3A_498 = tpu.vector_load %arg8[%get3A_497] {strides = array<i32>} : memref<256xi32, #tpu.memory_space<vmem>>, vector<16xi32>,
      %get3A_499 = vector.shape_cast %get3A_498 : vector<16xi32> to vector<16xi32>
      %convert_element_type3A_500 = arith.sitofp %get3A_499 : vector<16xi32> to vector<16xf32>
      %add3A_501 = arith.addf %add3A_496, %convert_element_type3A_500 : vector<16xf32>
      %get3A_502 = arith.constant 160 : index
      %get3A_503 = tpu.vector_load %arg8[%get3A_502] {strides = array<i32>} : memref<256xi32, #tpu.memory_space<vmem>>, vector<16xi32>,
      %get3A_504 = vector.shape_cast %get3A_503 : vector<16xi32> to vector<16xi32>
      %convert_element_type3A_505 = arith.sitofp %get3A_504 : vector<16xi32> to vector<16xf32>
      %add3A_506 = arith.addf %add3A_501, %convert_element_type3A_505 : vector<16xf32>
      %get3A_507 = arith.constant 176 : index
      %get3A_508 = tpu.vector_load %arg8[%get3A_507] {strides = array<i32>} : memref<256xi32, #tpu.memory_space<vmem>>, vector<16xi32>,
      %get3A_509 = vector.shape_cast %get3A_508 : vector<16xi32> to vector<16xi32>
      %convert_element_type3A_510 = arith.sitofp %get3A_509 : vector<16xi32> to vector<16xf32>
      %add3A_511 = arith.addf %add3A_506, %convert_element_type3A_510 : vector<16xf32>
      %get3A_512 = arith.constant 192 : index
      %get3A_513 = tpu.vector_load %arg8[%get3A_512] {strides = array<i32>} : memref<256xi32, #tpu.memory_space<vmem>>, vector<16xi32>,
      %get3A_514 = vector.shape_cast %get3A_513 : vector<16xi32> to vector<16xi32>
      %convert_element_type3A_515 = arith.sitofp %get3A_514 : vector<16xi32> to vector<16xf32>
      %add3A_516 = arith.addf %add3A_511, %convert_element_type3A_515 : vector<16xf32>
      %get3A_517 = arith.constant 208 : index
      %get3A_518 = tpu.vector_load %arg8[%get3A_517] {strides = array<i32>} : memref<256xi32, #tpu.memory_space<vmem>>, vector<16xi32>,
      %get3A_519 = vector.shape_cast %get3A_518 : vector<16xi32> to vector<16xi32>
      %convert_element_type3A_520 = arith.sitofp %get3A_519 : vector<16xi32> to vector<16xf32>
      %add3A_521 = arith.addf %add3A_516, %convert_element_type3A_520 : vector<16xf32>
      %get3A_522 = arith.constant 224 : index
      %get3A_523 = tpu.vector_load %arg8[%get3A_522] {strides = array<i32>} : memref<256xi32, #tpu.memory_space<vmem>>, vector<16xi32>,
      %get3A_524 = vector.shape_cast %get3A_523 : vector<16xi32> to vector<16xi32>
      %convert_element_type3A_525 = arith.sitofp %get3A_524 : vector<16xi32> to vector<16xf32>
      %add3A_526 = arith.addf %add3A_521, %convert_element_type3A_525 : vector<16xf32>
      %get3A_527 = arith.constant 240 : index
      %get3A_528 = tpu.vector_load %arg8[%get3A_527] {strides = array<i32>} : memref<256xi32, #tpu.memory_space<vmem>>, vector<16xi32>,
      %get3A_529 = vector.shape_cast %get3A_528 : vector<16xi32> to vector<16xi32>
      %convert_element_type3A_530 = arith.sitofp %get3A_529 : vector<16xi32> to vector<16xf32>
      %add3A_531 = arith.addf %add3A_526, %convert_element_type3A_530 : vector<16xf32>
      %dma_wait3A_532 = arith.constant 0 : i32
      %dma_wait3A_533 = tpu.memref_slice %arg5[%dma_wait3A_532] : memref<8192xf32, #tpu.memory_space<hbm>> -> memref<8192xf32, #tpu.memory_space<hbm>>
      tpu.wait_indirect_dma semaphore(%arg17 : memref<!tpu.dma_semaphore, #tpu.memory_space<semaphore_mem>>) src(%dma_wait3A_533 : memref<8192xf32, #tpu.memory_space<hbm>>) dst(%arg11 : memref<512xf32, #tpu.memory_space<vmem>>)
      %dma_wait3A_534 = arith.constant 0 : i32
      %dma_wait3A_535 = tpu.memref_slice %arg10[%dma_wait3A_534] : memref<512xf32, #tpu.memory_space<vmem>> -> memref<128xf32, #tpu.memory_space<vmem>>
      %dma_wait3A_536 = arith.constant 0 : i32
      %dma_wait3A_537 = tpu.memref_slice %arg7[%dma_wait3A_536] : memref<256xi32, #tpu.memory_space<vmem>> -> memref<128xi32, #tpu.memory_space<vmem>>
      %dma_wait3A_538 = tpu.memref_slice %arg2[%add3A_402] : memref<1048576xf32, #tpu.memory_space<hbm>> -> memref<16384xf32, #tpu.memory_space<hbm>>
      %dma_wait3A_539 = arith.constant 0 : i32
      %dma_wait3A_540 = tpu.memref_slice %dma_wait3A_538[%dma_wait3A_539] : memref<16384xf32, #tpu.memory_space<hbm>> -> memref<16384xf32, #tpu.memory_space<hbm>>
      tpu.wait_indirect_dma semaphore(%arg17 : memref<!tpu.dma_semaphore, #tpu.memory_space<semaphore_mem>>) src(%dma_wait3A_540 : memref<16384xf32, #tpu.memory_space<hbm>>) dst(%dma_wait3A_535 : memref<128xf32, #tpu.memory_space<vmem>>)
      %dma_wait3A_541 = arith.constant 128 : i32
      %dma_wait3A_542 = tpu.memref_slice %arg10[%dma_wait3A_541] : memref<512xf32, #tpu.memory_space<vmem>> -> memref<128xf32, #tpu.memory_space<vmem>>
      %dma_wait3A_543 = arith.constant 0 : i32
      %dma_wait3A_544 = tpu.memref_slice %arg7[%dma_wait3A_543] : memref<256xi32, #tpu.memory_space<vmem>> -> memref<128xi32, #tpu.memory_space<vmem>>
      %dma_wait3A_545 = tpu.memref_slice %arg2[%add3A_415] : memref<1048576xf32, #tpu.memory_space<hbm>> -> memref<16384xf32, #tpu.memory_space<hbm>>
      %dma_wait3A_546 = arith.constant 0 : i32
      %dma_wait3A_547 = tpu.memref_slice %dma_wait3A_545[%dma_wait3A_546] : memref<16384xf32, #tpu.memory_space<hbm>> -> memref<16384xf32, #tpu.memory_space<hbm>>
      tpu.wait_indirect_dma semaphore(%arg17 : memref<!tpu.dma_semaphore, #tpu.memory_space<semaphore_mem>>) src(%dma_wait3A_547 : memref<16384xf32, #tpu.memory_space<hbm>>) dst(%dma_wait3A_542 : memref<128xf32, #tpu.memory_space<vmem>>)
      %dma_wait3A_548 = arith.constant 256 : i32
      %dma_wait3A_549 = tpu.memref_slice %arg10[%dma_wait3A_548] : memref<512xf32, #tpu.memory_space<vmem>> -> memref<128xf32, #tpu.memory_space<vmem>>
      %dma_wait3A_550 = arith.constant 128 : i32
      %dma_wait3A_551 = tpu.memref_slice %arg7[%dma_wait3A_550] : memref<256xi32, #tpu.memory_space<vmem>> -> memref<128xi32, #tpu.memory_space<vmem>>
      %dma_wait3A_552 = tpu.memref_slice %arg2[%add3A_428] : memref<1048576xf32, #tpu.memory_space<hbm>> -> memref<16384xf32, #tpu.memory_space<hbm>>
      %dma_wait3A_553 = arith.constant 0 : i32
      %dma_wait3A_554 = tpu.memref_slice %dma_wait3A_552[%dma_wait3A_553] : memref<16384xf32, #tpu.memory_space<hbm>> -> memref<16384xf32, #tpu.memory_space<hbm>>
      tpu.wait_indirect_dma semaphore(%arg17 : memref<!tpu.dma_semaphore, #tpu.memory_space<semaphore_mem>>) src(%dma_wait3A_554 : memref<16384xf32, #tpu.memory_space<hbm>>) dst(%dma_wait3A_549 : memref<128xf32, #tpu.memory_space<vmem>>)
      %dma_wait3A_555 = arith.constant 384 : i32
      %dma_wait3A_556 = tpu.memref_slice %arg10[%dma_wait3A_555] : memref<512xf32, #tpu.memory_space<vmem>> -> memref<128xf32, #tpu.memory_space<vmem>>
      %dma_wait3A_557 = arith.constant 128 : i32
      %dma_wait3A_558 = tpu.memref_slice %arg7[%dma_wait3A_557] : memref<256xi32, #tpu.memory_space<vmem>> -> memref<128xi32, #tpu.memory_space<vmem>>
      %dma_wait3A_559 = tpu.memref_slice %arg2[%add3A_441] : memref<1048576xf32, #tpu.memory_space<hbm>> -> memref<16384xf32, #tpu.memory_space<hbm>>
      %dma_wait3A_560 = arith.constant 0 : i32
      %dma_wait3A_561 = tpu.memref_slice %dma_wait3A_559[%dma_wait3A_560] : memref<16384xf32, #tpu.memory_space<hbm>> -> memref<16384xf32, #tpu.memory_space<hbm>>
      tpu.wait_indirect_dma semaphore(%arg17 : memref<!tpu.dma_semaphore, #tpu.memory_space<semaphore_mem>>) src(%dma_wait3A_561 : memref<16384xf32, #tpu.memory_space<hbm>>) dst(%dma_wait3A_556 : memref<128xf32, #tpu.memory_space<vmem>>)
      %broadcast_in_dim3A_562 = arith.constant 0.000000e+00 : f32
      %broadcast_in_dim3A_563 = vector.broadcast %broadcast_in_dim3A_562 : f32 to vector<16xf32>
      %broadcast_in_dim3A_564 = arith.constant 0.000000e+00 : f32
      %broadcast_in_dim3A_565 = vector.broadcast %broadcast_in_dim3A_564 : f32 to vector<16xf32>
      %get3A_566 = arith.constant 0 : index
      %get3A_567 = tpu.vector_load %arg10[%get3A_566] {strides = array<i32>} : memref<512xf32, #tpu.memory_space<vmem>>, vector<16xf32>,
      %get3A_568 = vector.shape_cast %get3A_567 : vector<16xf32> to vector<16xf32>
      %get3A_569 = arith.constant 0 : index
      %get3A_570 = tpu.vector_load %arg11[%get3A_569] {strides = array<i32>} : memref<512xf32, #tpu.memory_space<vmem>>, vector<16xf32>,
      %get3A_571 = vector.shape_cast %get3A_570 : vector<16xf32> to vector<16xf32>
      %sub3A = arith.subf %get3A_568, %get3A_571 : vector<16xf32>
      %abs3A = math.absf %sub3A : vector<16xf32>
      %mul3A_572 = arith.mulf %convert_element_type3A_455, %abs3A : vector<16xf32>
      %add3A_573 = arith.addf %broadcast_in_dim3A_563, %mul3A_572 : vector<16xf32>
      %get3A_574 = arith.constant 128 : index
      %get3A_575 = tpu.vector_load %arg10[%get3A_574] {strides = array<i32>} : memref<512xf32, #tpu.memory_space<vmem>>, vector<16xf32>,
      %get3A_576 = vector.shape_cast %get3A_575 : vector<16xf32> to vector<16xf32>
      %get3A_577 = arith.constant 128 : index
      %get3A_578 = tpu.vector_load %arg11[%get3A_577] {strides = array<i32>} : memref<512xf32, #tpu.memory_space<vmem>>, vector<16xf32>,
      %get3A_579 = vector.shape_cast %get3A_578 : vector<16xf32> to vector<16xf32>
      %sub3A_580 = arith.subf %get3A_576, %get3A_579 : vector<16xf32>
      %abs3A_581 = math.absf %sub3A_580 : vector<16xf32>
      %mul3A_582 = arith.mulf %convert_element_type3A_455, %abs3A_581 : vector<16xf32>
      %add3A_583 = arith.addf %broadcast_in_dim3A_565, %mul3A_582 : vector<16xf32>
      %get3A_584 = arith.constant 16 : index
      %get3A_585 = tpu.vector_load %arg10[%get3A_584] {strides = array<i32>} : memref<512xf32, #tpu.memory_space<vmem>>, vector<16xf32>,
      %get3A_586 = vector.shape_cast %get3A_585 : vector<16xf32> to vector<16xf32>
      %get3A_587 = arith.constant 16 : index
      %get3A_588 = tpu.vector_load %arg11[%get3A_587] {strides = array<i32>} : memref<512xf32, #tpu.memory_space<vmem>>, vector<16xf32>,
      %get3A_589 = vector.shape_cast %get3A_588 : vector<16xf32> to vector<16xf32>
      %sub3A_590 = arith.subf %get3A_586, %get3A_589 : vector<16xf32>
      %abs3A_591 = math.absf %sub3A_590 : vector<16xf32>
      %mul3A_592 = arith.mulf %convert_element_type3A_460, %abs3A_591 : vector<16xf32>
      %add3A_593 = arith.addf %add3A_573, %mul3A_592 : vector<16xf32>
      %get3A_594 = arith.constant 144 : index
      %get3A_595 = tpu.vector_load %arg10[%get3A_594] {strides = array<i32>} : memref<512xf32, #tpu.memory_space<vmem>>, vector<16xf32>,
      %get3A_596 = vector.shape_cast %get3A_595 : vector<16xf32> to vector<16xf32>
      %get3A_597 = arith.constant 144 : index
      %get3A_598 = tpu.vector_load %arg11[%get3A_597] {strides = array<i32>} : memref<512xf32, #tpu.memory_space<vmem>>, vector<16xf32>,
      %get3A_599 = vector.shape_cast %get3A_598 : vector<16xf32> to vector<16xf32>
      %sub3A_600 = arith.subf %get3A_596, %get3A_599 : vector<16xf32>
      %abs3A_601 = math.absf %sub3A_600 : vector<16xf32>
      %mul3A_602 = arith.mulf %convert_element_type3A_460, %abs3A_601 : vector<16xf32>
      %add3A_603 = arith.addf %add3A_583, %mul3A_602 : vector<16xf32>
      %get3A_604 = arith.constant 32 : index
      %get3A_605 = tpu.vector_load %arg10[%get3A_604] {strides = array<i32>} : memref<512xf32, #tpu.memory_space<vmem>>, vector<16xf32>,
      %get3A_606 = vector.shape_cast %get3A_605 : vector<16xf32> to vector<16xf32>
      %get3A_607 = arith.constant 32 : index
      %get3A_608 = tpu.vector_load %arg11[%get3A_607] {strides = array<i32>} : memref<512xf32, #tpu.memory_space<vmem>>, vector<16xf32>,
      %get3A_609 = vector.shape_cast %get3A_608 : vector<16xf32> to vector<16xf32>
      %sub3A_610 = arith.subf %get3A_606, %get3A_609 : vector<16xf32>
      %abs3A_611 = math.absf %sub3A_610 : vector<16xf32>
      %mul3A_612 = arith.mulf %convert_element_type3A_465, %abs3A_611 : vector<16xf32>
      %add3A_613 = arith.addf %add3A_593, %mul3A_612 : vector<16xf32>
      %get3A_614 = arith.constant 160 : index
      %get3A_615 = tpu.vector_load %arg10[%get3A_614] {strides = array<i32>} : memref<512xf32, #tpu.memory_space<vmem>>, vector<16xf32>,
      %get3A_616 = vector.shape_cast %get3A_615 : vector<16xf32> to vector<16xf32>
      %get3A_617 = arith.constant 160 : index
      %get3A_618 = tpu.vector_load %arg11[%get3A_617] {strides = array<i32>} : memref<512xf32, #tpu.memory_space<vmem>>, vector<16xf32>,
      %get3A_619 = vector.shape_cast %get3A_618 : vector<16xf32> to vector<16xf32>
      %sub3A_620 = arith.subf %get3A_616, %get3A_619 : vector<16xf32>
      %abs3A_621 = math.absf %sub3A_620 : vector<16xf32>
      %mul3A_622 = arith.mulf %convert_element_type3A_465, %abs3A_621 : vector<16xf32>
      %add3A_623 = arith.addf %add3A_603, %mul3A_622 : vector<16xf32>
      %get3A_624 = arith.constant 48 : index
      %get3A_625 = tpu.vector_load %arg10[%get3A_624] {strides = array<i32>} : memref<512xf32, #tpu.memory_space<vmem>>, vector<16xf32>,
      %get3A_626 = vector.shape_cast %get3A_625 : vector<16xf32> to vector<16xf32>
      %get3A_627 = arith.constant 48 : index
      %get3A_628 = tpu.vector_load %arg11[%get3A_627] {strides = array<i32>} : memref<512xf32, #tpu.memory_space<vmem>>, vector<16xf32>,
      %get3A_629 = vector.shape_cast %get3A_628 : vector<16xf32> to vector<16xf32>
      %sub3A_630 = arith.subf %get3A_626, %get3A_629 : vector<16xf32>
      %abs3A_631 = math.absf %sub3A_630 : vector<16xf32>
      %mul3A_632 = arith.mulf %convert_element_type3A_470, %abs3A_631 : vector<16xf32>
      %add3A_633 = arith.addf %add3A_613, %mul3A_632 : vector<16xf32>
      %get3A_634 = arith.constant 176 : index
      %get3A_635 = tpu.vector_load %arg10[%get3A_634] {strides = array<i32>} : memref<512xf32, #tpu.memory_space<vmem>>, vector<16xf32>,
      %get3A_636 = vector.shape_cast %get3A_635 : vector<16xf32> to vector<16xf32>
      %get3A_637 = arith.constant 176 : index
      %get3A_638 = tpu.vector_load %arg11[%get3A_637] {strides = array<i32>} : memref<512xf32, #tpu.memory_space<vmem>>, vector<16xf32>,
      %get3A_639 = vector.shape_cast %get3A_638 : vector<16xf32> to vector<16xf32>
      %sub3A_640 = arith.subf %get3A_636, %get3A_639 : vector<16xf32>
      %abs3A_641 = math.absf %sub3A_640 : vector<16xf32>
      %mul3A_642 = arith.mulf %convert_element_type3A_470, %abs3A_641 : vector<16xf32>
      %add3A_643 = arith.addf %add3A_623, %mul3A_642 : vector<16xf32>
      %get3A_644 = arith.constant 64 : index
      %get3A_645 = tpu.vector_load %arg10[%get3A_644] {strides = array<i32>} : memref<512xf32, #tpu.memory_space<vmem>>, vector<16xf32>,
      %get3A_646 = vector.shape_cast %get3A_645 : vector<16xf32> to vector<16xf32>
      %get3A_647 = arith.constant 64 : index
      %get3A_648 = tpu.vector_load %arg11[%get3A_647] {strides = array<i32>} : memref<512xf32, #tpu.memory_space<vmem>>, vector<16xf32>,
      %get3A_649 = vector.shape_cast %get3A_648 : vector<16xf32> to vector<16xf32>
      %sub3A_650 = arith.subf %get3A_646, %get3A_649 : vector<16xf32>
      %abs3A_651 = math.absf %sub3A_650 : vector<16xf32>
      %mul3A_652 = arith.mulf %convert_element_type3A_475, %abs3A_651 : vector<16xf32>
      %add3A_653 = arith.addf %add3A_633, %mul3A_652 : vector<16xf32>
      %get3A_654 = arith.constant 192 : index
      %get3A_655 = tpu.vector_load %arg10[%get3A_654] {strides = array<i32>} : memref<512xf32, #tpu.memory_space<vmem>>, vector<16xf32>,
      %get3A_656 = vector.shape_cast %get3A_655 : vector<16xf32> to vector<16xf32>
      %get3A_657 = arith.constant 192 : index
      %get3A_658 = tpu.vector_load %arg11[%get3A_657] {strides = array<i32>} : memref<512xf32, #tpu.memory_space<vmem>>, vector<16xf32>,
      %get3A_659 = vector.shape_cast %get3A_658 : vector<16xf32> to vector<16xf32>
      %sub3A_660 = arith.subf %get3A_656, %get3A_659 : vector<16xf32>
      %abs3A_661 = math.absf %sub3A_660 : vector<16xf32>
      %mul3A_662 = arith.mulf %convert_element_type3A_475, %abs3A_661 : vector<16xf32>
      %add3A_663 = arith.addf %add3A_643, %mul3A_662 : vector<16xf32>
      %get3A_664 = arith.constant 80 : index
      %get3A_665 = tpu.vector_load %arg10[%get3A_664] {strides = array<i32>} : memref<512xf32, #tpu.memory_space<vmem>>, vector<16xf32>,
      %get3A_666 = vector.shape_cast %get3A_665 : vector<16xf32> to vector<16xf32>
      %get3A_667 = arith.constant 80 : index
      %get3A_668 = tpu.vector_load %arg11[%get3A_667] {strides = array<i32>} : memref<512xf32, #tpu.memory_space<vmem>>, vector<16xf32>,
      %get3A_669 = vector.shape_cast %get3A_668 : vector<16xf32> to vector<16xf32>
      %sub3A_670 = arith.subf %get3A_666, %get3A_669 : vector<16xf32>
      %abs3A_671 = math.absf %sub3A_670 : vector<16xf32>
      %mul3A_672 = arith.mulf %convert_element_type3A_480, %abs3A_671 : vector<16xf32>
      %add3A_673 = arith.addf %add3A_653, %mul3A_672 : vector<16xf32>
      %get3A_674 = arith.constant 208 : index
      %get3A_675 = tpu.vector_load %arg10[%get3A_674] {strides = array<i32>} : memref<512xf32, #tpu.memory_space<vmem>>, vector<16xf32>,
      %get3A_676 = vector.shape_cast %get3A_675 : vector<16xf32> to vector<16xf32>
      %get3A_677 = arith.constant 208 : index
      %get3A_678 = tpu.vector_load %arg11[%get3A_677] {strides = array<i32>} : memref<512xf32, #tpu.memory_space<vmem>>, vector<16xf32>,
      %get3A_679 = vector.shape_cast %get3A_678 : vector<16xf32> to vector<16xf32>
      %sub3A_680 = arith.subf %get3A_676, %get3A_679 : vector<16xf32>
      %abs3A_681 = math.absf %sub3A_680 : vector<16xf32>
      %mul3A_682 = arith.mulf %convert_element_type3A_480, %abs3A_681 : vector<16xf32>
      %add3A_683 = arith.addf %add3A_663, %mul3A_682 : vector<16xf32>
      %get3A_684 = arith.constant 96 : index
      %get3A_685 = tpu.vector_load %arg10[%get3A_684] {strides = array<i32>} : memref<512xf32, #tpu.memory_space<vmem>>, vector<16xf32>,
      %get3A_686 = vector.shape_cast %get3A_685 : vector<16xf32> to vector<16xf32>
      %get3A_687 = arith.constant 96 : index
      %get3A_688 = tpu.vector_load %arg11[%get3A_687] {strides = array<i32>} : memref<512xf32, #tpu.memory_space<vmem>>, vector<16xf32>,
      %get3A_689 = vector.shape_cast %get3A_688 : vector<16xf32> to vector<16xf32>
      %sub3A_690 = arith.subf %get3A_686, %get3A_689 : vector<16xf32>
      %abs3A_691 = math.absf %sub3A_690 : vector<16xf32>
      %mul3A_692 = arith.mulf %convert_element_type3A_485, %abs3A_691 : vector<16xf32>
      %add3A_693 = arith.addf %add3A_673, %mul3A_692 : vector<16xf32>
      %get3A_694 = arith.constant 224 : index
      %get3A_695 = tpu.vector_load %arg10[%get3A_694] {strides = array<i32>} : memref<512xf32, #tpu.memory_space<vmem>>, vector<16xf32>,
      %get3A_696 = vector.shape_cast %get3A_695 : vector<16xf32> to vector<16xf32>
      %get3A_697 = arith.constant 224 : index
      %get3A_698 = tpu.vector_load %arg11[%get3A_697] {strides = array<i32>} : memref<512xf32, #tpu.memory_space<vmem>>, vector<16xf32>,
      %get3A_699 = vector.shape_cast %get3A_698 : vector<16xf32> to vector<16xf32>
      %sub3A_700 = arith.subf %get3A_696, %get3A_699 : vector<16xf32>
      %abs3A_701 = math.absf %sub3A_700 : vector<16xf32>
      %mul3A_702 = arith.mulf %convert_element_type3A_485, %abs3A_701 : vector<16xf32>
      %add3A_703 = arith.addf %add3A_683, %mul3A_702 : vector<16xf32>
      %get3A_704 = arith.constant 112 : index
      %get3A_705 = tpu.vector_load %arg10[%get3A_704] {strides = array<i32>} : memref<512xf32, #tpu.memory_space<vmem>>, vector<16xf32>,
      %get3A_706 = vector.shape_cast %get3A_705 : vector<16xf32> to vector<16xf32>
      %get3A_707 = arith.constant 112 : index
      %get3A_708 = tpu.vector_load %arg11[%get3A_707] {strides = array<i32>} : memref<512xf32, #tpu.memory_space<vmem>>, vector<16xf32>,
      %get3A_709 = vector.shape_cast %get3A_708 : vector<16xf32> to vector<16xf32>
      %sub3A_710 = arith.subf %get3A_706, %get3A_709 : vector<16xf32>
      %abs3A_711 = math.absf %sub3A_710 : vector<16xf32>
      %mul3A_712 = arith.mulf %convert_element_type3A_490, %abs3A_711 : vector<16xf32>
      %add3A_713 = arith.addf %add3A_693, %mul3A_712 : vector<16xf32>
      %get3A_714 = arith.constant 240 : index
      %get3A_715 = tpu.vector_load %arg10[%get3A_714] {strides = array<i32>} : memref<512xf32, #tpu.memory_space<vmem>>, vector<16xf32>,
      %get3A_716 = vector.shape_cast %get3A_715 : vector<16xf32> to vector<16xf32>
      %get3A_717 = arith.constant 240 : index
      %get3A_718 = tpu.vector_load %arg11[%get3A_717] {strides = array<i32>} : memref<512xf32, #tpu.memory_space<vmem>>, vector<16xf32>,
      %get3A_719 = vector.shape_cast %get3A_718 : vector<16xf32> to vector<16xf32>
      %sub3A_720 = arith.subf %get3A_716, %get3A_719 : vector<16xf32>
      %abs3A_721 = math.absf %sub3A_720 : vector<16xf32>
      %mul3A_722 = arith.mulf %convert_element_type3A_490, %abs3A_721 : vector<16xf32>
      %add3A_723 = arith.addf %add3A_703, %mul3A_722 : vector<16xf32>
      %get3A_724 = arith.constant 256 : index
      %get3A_725 = tpu.vector_load %arg10[%get3A_724] {strides = array<i32>} : memref<512xf32, #tpu.memory_space<vmem>>, vector<16xf32>,
      %get3A_726 = vector.shape_cast %get3A_725 : vector<16xf32> to vector<16xf32>
      %get3A_727 = arith.constant 256 : index
      %get3A_728 = tpu.vector_load %arg11[%get3A_727] {strides = array<i32>} : memref<512xf32, #tpu.memory_space<vmem>>, vector<16xf32>,
      %get3A_729 = vector.shape_cast %get3A_728 : vector<16xf32> to vector<16xf32>
      %sub3A_730 = arith.subf %get3A_726, %get3A_729 : vector<16xf32>
      %abs3A_731 = math.absf %sub3A_730 : vector<16xf32>
      %mul3A_732 = arith.mulf %convert_element_type3A_495, %abs3A_731 : vector<16xf32>
      %add3A_733 = arith.addf %add3A_713, %mul3A_732 : vector<16xf32>
      %get3A_734 = arith.constant 384 : index
      %get3A_735 = tpu.vector_load %arg10[%get3A_734] {strides = array<i32>} : memref<512xf32, #tpu.memory_space<vmem>>, vector<16xf32>,
      %get3A_736 = vector.shape_cast %get3A_735 : vector<16xf32> to vector<16xf32>
      %get3A_737 = arith.constant 384 : index
      %get3A_738 = tpu.vector_load %arg11[%get3A_737] {strides = array<i32>} : memref<512xf32, #tpu.memory_space<vmem>>, vector<16xf32>,
      %get3A_739 = vector.shape_cast %get3A_738 : vector<16xf32> to vector<16xf32>
      %sub3A_740 = arith.subf %get3A_736, %get3A_739 : vector<16xf32>
      %abs3A_741 = math.absf %sub3A_740 : vector<16xf32>
      %mul3A_742 = arith.mulf %convert_element_type3A_495, %abs3A_741 : vector<16xf32>
      %add3A_743 = arith.addf %add3A_723, %mul3A_742 : vector<16xf32>
      %get3A_744 = arith.constant 272 : index
      %get3A_745 = tpu.vector_load %arg10[%get3A_744] {strides = array<i32>} : memref<512xf32, #tpu.memory_space<vmem>>, vector<16xf32>,
      %get3A_746 = vector.shape_cast %get3A_745 : vector<16xf32> to vector<16xf32>
      %get3A_747 = arith.constant 272 : index
      %get3A_748 = tpu.vector_load %arg11[%get3A_747] {strides = array<i32>} : memref<512xf32, #tpu.memory_space<vmem>>, vector<16xf32>,
      %get3A_749 = vector.shape_cast %get3A_748 : vector<16xf32> to vector<16xf32>
      %sub3A_750 = arith.subf %get3A_746, %get3A_749 : vector<16xf32>
      %abs3A_751 = math.absf %sub3A_750 : vector<16xf32>
      %mul3A_752 = arith.mulf %convert_element_type3A_500, %abs3A_751 : vector<16xf32>
      %add3A_753 = arith.addf %add3A_733, %mul3A_752 : vector<16xf32>
      %get3A_754 = arith.constant 400 : index
      %get3A_755 = tpu.vector_load %arg10[%get3A_754] {strides = array<i32>} : memref<512xf32, #tpu.memory_space<vmem>>, vector<16xf32>,
      %get3A_756 = vector.shape_cast %get3A_755 : vector<16xf32> to vector<16xf32>
      %get3A_757 = arith.constant 400 : index
      %get3A_758 = tpu.vector_load %arg11[%get3A_757] {strides = array<i32>} : memref<512xf32, #tpu.memory_space<vmem>>, vector<16xf32>,
      %get3A_759 = vector.shape_cast %get3A_758 : vector<16xf32> to vector<16xf32>
      %sub3A_760 = arith.subf %get3A_756, %get3A_759 : vector<16xf32>
      %abs3A_761 = math.absf %sub3A_760 : vector<16xf32>
      %mul3A_762 = arith.mulf %convert_element_type3A_500, %abs3A_761 : vector<16xf32>
      %add3A_763 = arith.addf %add3A_743, %mul3A_762 : vector<16xf32>
      %get3A_764 = arith.constant 288 : index
      %get3A_765 = tpu.vector_load %arg10[%get3A_764] {strides = array<i32>} : memref<512xf32, #tpu.memory_space<vmem>>, vector<16xf32>,
      %get3A_766 = vector.shape_cast %get3A_765 : vector<16xf32> to vector<16xf32>
      %get3A_767 = arith.constant 288 : index
      %get3A_768 = tpu.vector_load %arg11[%get3A_767] {strides = array<i32>} : memref<512xf32, #tpu.memory_space<vmem>>, vector<16xf32>,
      %get3A_769 = vector.shape_cast %get3A_768 : vector<16xf32> to vector<16xf32>
      %sub3A_770 = arith.subf %get3A_766, %get3A_769 : vector<16xf32>
      %abs3A_771 = math.absf %sub3A_770 : vector<16xf32>
      %mul3A_772 = arith.mulf %convert_element_type3A_505, %abs3A_771 : vector<16xf32>
      %add3A_773 = arith.addf %add3A_753, %mul3A_772 : vector<16xf32>
      %get3A_774 = arith.constant 416 : index
      %get3A_775 = tpu.vector_load %arg10[%get3A_774] {strides = array<i32>} : memref<512xf32, #tpu.memory_space<vmem>>, vector<16xf32>,
      %get3A_776 = vector.shape_cast %get3A_775 : vector<16xf32> to vector<16xf32>
      %get3A_777 = arith.constant 416 : index
      %get3A_778 = tpu.vector_load %arg11[%get3A_777] {strides = array<i32>} : memref<512xf32, #tpu.memory_space<vmem>>, vector<16xf32>,
      %get3A_779 = vector.shape_cast %get3A_778 : vector<16xf32> to vector<16xf32>
      %sub3A_780 = arith.subf %get3A_776, %get3A_779 : vector<16xf32>
      %abs3A_781 = math.absf %sub3A_780 : vector<16xf32>
      %mul3A_782 = arith.mulf %convert_element_type3A_505, %abs3A_781 : vector<16xf32>
      %add3A_783 = arith.addf %add3A_763, %mul3A_782 : vector<16xf32>
      %get3A_784 = arith.constant 304 : index
      %get3A_785 = tpu.vector_load %arg10[%get3A_784] {strides = array<i32>} : memref<512xf32, #tpu.memory_space<vmem>>, vector<16xf32>,
      %get3A_786 = vector.shape_cast %get3A_785 : vector<16xf32> to vector<16xf32>
      %get3A_787 = arith.constant 304 : index
      %get3A_788 = tpu.vector_load %arg11[%get3A_787] {strides = array<i32>} : memref<512xf32, #tpu.memory_space<vmem>>, vector<16xf32>,
      %get3A_789 = vector.shape_cast %get3A_788 : vector<16xf32> to vector<16xf32>
      %sub3A_790 = arith.subf %get3A_786, %get3A_789 : vector<16xf32>
      %abs3A_791 = math.absf %sub3A_790 : vector<16xf32>
      %mul3A_792 = arith.mulf %convert_element_type3A_510, %abs3A_791 : vector<16xf32>
      %add3A_793 = arith.addf %add3A_773, %mul3A_792 : vector<16xf32>
      %get3A_794 = arith.constant 432 : index
      %get3A_795 = tpu.vector_load %arg10[%get3A_794] {strides = array<i32>} : memref<512xf32, #tpu.memory_space<vmem>>, vector<16xf32>,
      %get3A_796 = vector.shape_cast %get3A_795 : vector<16xf32> to vector<16xf32>
      %get3A_797 = arith.constant 432 : index
      %get3A_798 = tpu.vector_load %arg11[%get3A_797] {strides = array<i32>} : memref<512xf32, #tpu.memory_space<vmem>>, vector<16xf32>,
      %get3A_799 = vector.shape_cast %get3A_798 : vector<16xf32> to vector<16xf32>
      %sub3A_800 = arith.subf %get3A_796, %get3A_799 : vector<16xf32>
      %abs3A_801 = math.absf %sub3A_800 : vector<16xf32>
      %mul3A_802 = arith.mulf %convert_element_type3A_510, %abs3A_801 : vector<16xf32>
      %add3A_803 = arith.addf %add3A_783, %mul3A_802 : vector<16xf32>
      %get3A_804 = arith.constant 320 : index
      %get3A_805 = tpu.vector_load %arg10[%get3A_804] {strides = array<i32>} : memref<512xf32, #tpu.memory_space<vmem>>, vector<16xf32>,
      %get3A_806 = vector.shape_cast %get3A_805 : vector<16xf32> to vector<16xf32>
      %get3A_807 = arith.constant 320 : index
      %get3A_808 = tpu.vector_load %arg11[%get3A_807] {strides = array<i32>} : memref<512xf32, #tpu.memory_space<vmem>>, vector<16xf32>,
      %get3A_809 = vector.shape_cast %get3A_808 : vector<16xf32> to vector<16xf32>
      %sub3A_810 = arith.subf %get3A_806, %get3A_809 : vector<16xf32>
      %abs3A_811 = math.absf %sub3A_810 : vector<16xf32>
      %mul3A_812 = arith.mulf %convert_element_type3A_515, %abs3A_811 : vector<16xf32>
      %add3A_813 = arith.addf %add3A_793, %mul3A_812 : vector<16xf32>
      %get3A_814 = arith.constant 448 : index
      %get3A_815 = tpu.vector_load %arg10[%get3A_814] {strides = array<i32>} : memref<512xf32, #tpu.memory_space<vmem>>, vector<16xf32>,
      %get3A_816 = vector.shape_cast %get3A_815 : vector<16xf32> to vector<16xf32>
      %get3A_817 = arith.constant 448 : index
      %get3A_818 = tpu.vector_load %arg11[%get3A_817] {strides = array<i32>} : memref<512xf32, #tpu.memory_space<vmem>>, vector<16xf32>,
      %get3A_819 = vector.shape_cast %get3A_818 : vector<16xf32> to vector<16xf32>
      %sub3A_820 = arith.subf %get3A_816, %get3A_819 : vector<16xf32>
      %abs3A_821 = math.absf %sub3A_820 : vector<16xf32>
      %mul3A_822 = arith.mulf %convert_element_type3A_515, %abs3A_821 : vector<16xf32>
      %add3A_823 = arith.addf %add3A_803, %mul3A_822 : vector<16xf32>
      %get3A_824 = arith.constant 336 : index
      %get3A_825 = tpu.vector_load %arg10[%get3A_824] {strides = array<i32>} : memref<512xf32, #tpu.memory_space<vmem>>, vector<16xf32>,
      %get3A_826 = vector.shape_cast %get3A_825 : vector<16xf32> to vector<16xf32>
      %get3A_827 = arith.constant 336 : index
      %get3A_828 = tpu.vector_load %arg11[%get3A_827] {strides = array<i32>} : memref<512xf32, #tpu.memory_space<vmem>>, vector<16xf32>,
      %get3A_829 = vector.shape_cast %get3A_828 : vector<16xf32> to vector<16xf32>
      %sub3A_830 = arith.subf %get3A_826, %get3A_829 : vector<16xf32>
      %abs3A_831 = math.absf %sub3A_830 : vector<16xf32>
      %mul3A_832 = arith.mulf %convert_element_type3A_520, %abs3A_831 : vector<16xf32>
      %add3A_833 = arith.addf %add3A_813, %mul3A_832 : vector<16xf32>
      %get3A_834 = arith.constant 464 : index
      %get3A_835 = tpu.vector_load %arg10[%get3A_834] {strides = array<i32>} : memref<512xf32, #tpu.memory_space<vmem>>, vector<16xf32>,
      %get3A_836 = vector.shape_cast %get3A_835 : vector<16xf32> to vector<16xf32>
      %get3A_837 = arith.constant 464 : index
      %get3A_838 = tpu.vector_load %arg11[%get3A_837] {strides = array<i32>} : memref<512xf32, #tpu.memory_space<vmem>>, vector<16xf32>,
      %get3A_839 = vector.shape_cast %get3A_838 : vector<16xf32> to vector<16xf32>
      %sub3A_840 = arith.subf %get3A_836, %get3A_839 : vector<16xf32>
      %abs3A_841 = math.absf %sub3A_840 : vector<16xf32>
      %mul3A_842 = arith.mulf %convert_element_type3A_520, %abs3A_841 : vector<16xf32>
      %add3A_843 = arith.addf %add3A_823, %mul3A_842 : vector<16xf32>
      %get3A_844 = arith.constant 352 : index
      %get3A_845 = tpu.vector_load %arg10[%get3A_844] {strides = array<i32>} : memref<512xf32, #tpu.memory_space<vmem>>, vector<16xf32>,
      %get3A_846 = vector.shape_cast %get3A_845 : vector<16xf32> to vector<16xf32>
      %get3A_847 = arith.constant 352 : index
      %get3A_848 = tpu.vector_load %arg11[%get3A_847] {strides = array<i32>} : memref<512xf32, #tpu.memory_space<vmem>>, vector<16xf32>,
      %get3A_849 = vector.shape_cast %get3A_848 : vector<16xf32> to vector<16xf32>
      %sub3A_850 = arith.subf %get3A_846, %get3A_849 : vector<16xf32>
      %abs3A_851 = math.absf %sub3A_850 : vector<16xf32>
      %mul3A_852 = arith.mulf %convert_element_type3A_525, %abs3A_851 : vector<16xf32>
      %add3A_853 = arith.addf %add3A_833, %mul3A_852 : vector<16xf32>
      %get3A_854 = arith.constant 480 : index
      %get3A_855 = tpu.vector_load %arg10[%get3A_854] {strides = array<i32>} : memref<512xf32, #tpu.memory_space<vmem>>, vector<16xf32>,
      %get3A_856 = vector.shape_cast %get3A_855 : vector<16xf32> to vector<16xf32>
      %get3A_857 = arith.constant 480 : index
      %get3A_858 = tpu.vector_load %arg11[%get3A_857] {strides = array<i32>} : memref<512xf32, #tpu.memory_space<vmem>>, vector<16xf32>,
      %get3A_859 = vector.shape_cast %get3A_858 : vector<16xf32> to vector<16xf32>
      %sub3A_860 = arith.subf %get3A_856, %get3A_859 : vector<16xf32>
      %abs3A_861 = math.absf %sub3A_860 : vector<16xf32>
      %mul3A_862 = arith.mulf %convert_element_type3A_525, %abs3A_861 : vector<16xf32>
      %add3A_863 = arith.addf %add3A_843, %mul3A_862 : vector<16xf32>
      %get3A_864 = arith.constant 368 : index
      %get3A_865 = tpu.vector_load %arg10[%get3A_864] {strides = array<i32>} : memref<512xf32, #tpu.memory_space<vmem>>, vector<16xf32>,
      %get3A_866 = vector.shape_cast %get3A_865 : vector<16xf32> to vector<16xf32>
      %get3A_867 = arith.constant 368 : index
      %get3A_868 = tpu.vector_load %arg11[%get3A_867] {strides = array<i32>} : memref<512xf32, #tpu.memory_space<vmem>>, vector<16xf32>,
      %get3A_869 = vector.shape_cast %get3A_868 : vector<16xf32> to vector<16xf32>
      %sub3A_870 = arith.subf %get3A_866, %get3A_869 : vector<16xf32>
      %abs3A_871 = math.absf %sub3A_870 : vector<16xf32>
      %mul3A_872 = arith.mulf %convert_element_type3A_530, %abs3A_871 : vector<16xf32>
      %add3A_873 = arith.addf %add3A_853, %mul3A_872 : vector<16xf32>
      %get3A_874 = arith.constant 496 : index
      %get3A_875 = tpu.vector_load %arg10[%get3A_874] {strides = array<i32>} : memref<512xf32, #tpu.memory_space<vmem>>, vector<16xf32>,
      %get3A_876 = vector.shape_cast %get3A_875 : vector<16xf32> to vector<16xf32>
      %get3A_877 = arith.constant 496 : index
      %get3A_878 = tpu.vector_load %arg11[%get3A_877] {strides = array<i32>} : memref<512xf32, #tpu.memory_space<vmem>>, vector<16xf32>,
      %get3A_879 = vector.shape_cast %get3A_878 : vector<16xf32> to vector<16xf32>
      %sub3A_880 = arith.subf %get3A_876, %get3A_879 : vector<16xf32>
      %abs3A_881 = math.absf %sub3A_880 : vector<16xf32>
      %mul3A_882 = arith.mulf %convert_element_type3A_530, %abs3A_881 : vector<16xf32>
      %add3A_883 = arith.addf %add3A_863, %mul3A_882 : vector<16xf32>
      %slice3A = vector.extract_strided_slice %add3A_873 {offsets = [0], sizes = [1], strides = [1]} : vector<16xf32> to vector<1xf32>
      %squeeze3A = vector.extract %slice3A[0] : f32 from vector<1xf32>
      %add3A_884 = arith.constant 0.000000e+00 : f32
      %add3A_885 = arith.addf %add3A_884, %squeeze3A : f32
      %slice3A_886 = vector.extract_strided_slice %add3A_883 {offsets = [0], sizes = [1], strides = [1]} : vector<16xf32> to vector<1xf32>
      %squeeze3A_887 = vector.extract %slice3A_886[0] : f32 from vector<1xf32>
      %add3A_888 = arith.constant 0.000000e+00 : f32
      %add3A_889 = arith.addf %add3A_888, %squeeze3A_887 : f32
      %slice3A_890 = vector.extract_strided_slice %add3A_531 {offsets = [0], sizes = [1], strides = [1]} : vector<16xf32> to vector<1xf32>
      %squeeze3A_891 = vector.extract %slice3A_890[0] : f32 from vector<1xf32>
      %add3A_892 = arith.constant 0.000000e+00 : f32
      %add3A_893 = arith.addf %add3A_892, %squeeze3A_891 : f32
      %slice3A_894 = vector.extract_strided_slice %add3A_873 {offsets = [1], sizes = [1], strides = [1]} : vector<16xf32> to vector<1xf32>
      %squeeze3A_895 = vector.extract %slice3A_894[0] : f32 from vector<1xf32>
      %add3A_896 = arith.addf %add3A_885, %squeeze3A_895 : f32
      %slice3A_897 = vector.extract_strided_slice %add3A_883 {offsets = [1], sizes = [1], strides = [1]} : vector<16xf32> to vector<1xf32>
      %squeeze3A_898 = vector.extract %slice3A_897[0] : f32 from vector<1xf32>
      %add3A_899 = arith.addf %add3A_889, %squeeze3A_898 : f32
      %slice3A_900 = vector.extract_strided_slice %add3A_531 {offsets = [1], sizes = [1], strides = [1]} : vector<16xf32> to vector<1xf32>
      %squeeze3A_901 = vector.extract %slice3A_900[0] : f32 from vector<1xf32>
      %add3A_902 = arith.addf %add3A_893, %squeeze3A_901 : f32
      %slice3A_903 = vector.extract_strided_slice %add3A_873 {offsets = [2], sizes = [1], strides = [1]} : vector<16xf32> to vector<1xf32>
      %squeeze3A_904 = vector.extract %slice3A_903[0] : f32 from vector<1xf32>
      %add3A_905 = arith.addf %add3A_896, %squeeze3A_904 : f32
      %slice3A_906 = vector.extract_strided_slice %add3A_883 {offsets = [2], sizes = [1], strides = [1]} : vector<16xf32> to vector<1xf32>
      %squeeze3A_907 = vector.extract %slice3A_906[0] : f32 from vector<1xf32>
      %add3A_908 = arith.addf %add3A_899, %squeeze3A_907 : f32
      %slice3A_909 = vector.extract_strided_slice %add3A_531 {offsets = [2], sizes = [1], strides = [1]} : vector<16xf32> to vector<1xf32>
      %squeeze3A_910 = vector.extract %slice3A_909[0] : f32 from vector<1xf32>
      %add3A_911 = arith.addf %add3A_902, %squeeze3A_910 : f32
      %slice3A_912 = vector.extract_strided_slice %add3A_873 {offsets = [3], sizes = [1], strides = [1]} : vector<16xf32> to vector<1xf32>
      %squeeze3A_913 = vector.extract %slice3A_912[0] : f32 from vector<1xf32>
      %add3A_914 = arith.addf %add3A_905, %squeeze3A_913 : f32
      %slice3A_915 = vector.extract_strided_slice %add3A_883 {offsets = [3], sizes = [1], strides = [1]} : vector<16xf32> to vector<1xf32>
      %squeeze3A_916 = vector.extract %slice3A_915[0] : f32 from vector<1xf32>
      %add3A_917 = arith.addf %add3A_908, %squeeze3A_916 : f32
      %slice3A_918 = vector.extract_strided_slice %add3A_531 {offsets = [3], sizes = [1], strides = [1]} : vector<16xf32> to vector<1xf32>
      %squeeze3A_919 = vector.extract %slice3A_918[0] : f32 from vector<1xf32>
      %add3A_920 = arith.addf %add3A_911, %squeeze3A_919 : f32
      %slice3A_921 = vector.extract_strided_slice %add3A_873 {offsets = [4], sizes = [1], strides = [1]} : vector<16xf32> to vector<1xf32>
      %squeeze3A_922 = vector.extract %slice3A_921[0] : f32 from vector<1xf32>
      %add3A_923 = arith.addf %add3A_914, %squeeze3A_922 : f32
      %slice3A_924 = vector.extract_strided_slice %add3A_883 {offsets = [4], sizes = [1], strides = [1]} : vector<16xf32> to vector<1xf32>
      %squeeze3A_925 = vector.extract %slice3A_924[0] : f32 from vector<1xf32>
      %add3A_926 = arith.addf %add3A_917, %squeeze3A_925 : f32
      %slice3A_927 = vector.extract_strided_slice %add3A_531 {offsets = [4], sizes = [1], strides = [1]} : vector<16xf32> to vector<1xf32>
      %squeeze3A_928 = vector.extract %slice3A_927[0] : f32 from vector<1xf32>
      %add3A_929 = arith.addf %add3A_920, %squeeze3A_928 : f32
      %slice3A_930 = vector.extract_strided_slice %add3A_873 {offsets = [5], sizes = [1], strides = [1]} : vector<16xf32> to vector<1xf32>
      %squeeze3A_931 = vector.extract %slice3A_930[0] : f32 from vector<1xf32>
      %add3A_932 = arith.addf %add3A_923, %squeeze3A_931 : f32
      %slice3A_933 = vector.extract_strided_slice %add3A_883 {offsets = [5], sizes = [1], strides = [1]} : vector<16xf32> to vector<1xf32>
      %squeeze3A_934 = vector.extract %slice3A_933[0] : f32 from vector<1xf32>
      %add3A_935 = arith.addf %add3A_926, %squeeze3A_934 : f32
      %slice3A_936 = vector.extract_strided_slice %add3A_531 {offsets = [5], sizes = [1], strides = [1]} : vector<16xf32> to vector<1xf32>
      %squeeze3A_937 = vector.extract %slice3A_936[0] : f32 from vector<1xf32>
      %add3A_938 = arith.addf %add3A_929, %squeeze3A_937 : f32
      %slice3A_939 = vector.extract_strided_slice %add3A_873 {offsets = [6], sizes = [1], strides = [1]} : vector<16xf32> to vector<1xf32>
      %squeeze3A_940 = vector.extract %slice3A_939[0] : f32 from vector<1xf32>
      %add3A_941 = arith.addf %add3A_932, %squeeze3A_940 : f32
      %slice3A_942 = vector.extract_strided_slice %add3A_883 {offsets = [6], sizes = [1], strides = [1]} : vector<16xf32> to vector<1xf32>
      %squeeze3A_943 = vector.extract %slice3A_942[0] : f32 from vector<1xf32>
      %add3A_944 = arith.addf %add3A_935, %squeeze3A_943 : f32
      %slice3A_945 = vector.extract_strided_slice %add3A_531 {offsets = [6], sizes = [1], strides = [1]} : vector<16xf32> to vector<1xf32>
      %squeeze3A_946 = vector.extract %slice3A_945[0] : f32 from vector<1xf32>
      %add3A_947 = arith.addf %add3A_938, %squeeze3A_946 : f32
      %slice3A_948 = vector.extract_strided_slice %add3A_873 {offsets = [7], sizes = [1], strides = [1]} : vector<16xf32> to vector<1xf32>
      %squeeze3A_949 = vector.extract %slice3A_948[0] : f32 from vector<1xf32>
      %add3A_950 = arith.addf %add3A_941, %squeeze3A_949 : f32
      %slice3A_951 = vector.extract_strided_slice %add3A_883 {offsets = [7], sizes = [1], strides = [1]} : vector<16xf32> to vector<1xf32>
      %squeeze3A_952 = vector.extract %slice3A_951[0] : f32 from vector<1xf32>
      %add3A_953 = arith.addf %add3A_944, %squeeze3A_952 : f32
      %slice3A_954 = vector.extract_strided_slice %add3A_531 {offsets = [7], sizes = [1], strides = [1]} : vector<16xf32> to vector<1xf32>
      %squeeze3A_955 = vector.extract %slice3A_954[0] : f32 from vector<1xf32>
      %add3A_956 = arith.addf %add3A_947, %squeeze3A_955 : f32
      %slice3A_957 = vector.extract_strided_slice %add3A_873 {offsets = [8], sizes = [1], strides = [1]} : vector<16xf32> to vector<1xf32>
      %squeeze3A_958 = vector.extract %slice3A_957[0] : f32 from vector<1xf32>
      %add3A_959 = arith.addf %add3A_950, %squeeze3A_958 : f32
      %slice3A_960 = vector.extract_strided_slice %add3A_883 {offsets = [8], sizes = [1], strides = [1]} : vector<16xf32> to vector<1xf32>
      %squeeze3A_961 = vector.extract %slice3A_960[0] : f32 from vector<1xf32>
      %add3A_962 = arith.addf %add3A_953, %squeeze3A_961 : f32
      %slice3A_963 = vector.extract_strided_slice %add3A_531 {offsets = [8], sizes = [1], strides = [1]} : vector<16xf32> to vector<1xf32>
      %squeeze3A_964 = vector.extract %slice3A_963[0] : f32 from vector<1xf32>
      %add3A_965 = arith.addf %add3A_956, %squeeze3A_964 : f32
      %slice3A_966 = vector.extract_strided_slice %add3A_873 {offsets = [9], sizes = [1], strides = [1]} : vector<16xf32> to vector<1xf32>
      %squeeze3A_967 = vector.extract %slice3A_966[0] : f32 from vector<1xf32>
      %add3A_968 = arith.addf %add3A_959, %squeeze3A_967 : f32
      %slice3A_969 = vector.extract_strided_slice %add3A_883 {offsets = [9], sizes = [1], strides = [1]} : vector<16xf32> to vector<1xf32>
      %squeeze3A_970 = vector.extract %slice3A_969[0] : f32 from vector<1xf32>
      %add3A_971 = arith.addf %add3A_962, %squeeze3A_970 : f32
      %slice3A_972 = vector.extract_strided_slice %add3A_531 {offsets = [9], sizes = [1], strides = [1]} : vector<16xf32> to vector<1xf32>
      %squeeze3A_973 = vector.extract %slice3A_972[0] : f32 from vector<1xf32>
      %add3A_974 = arith.addf %add3A_965, %squeeze3A_973 : f32
      %slice3A_975 = vector.extract_strided_slice %add3A_873 {offsets = [10], sizes = [1], strides = [1]} : vector<16xf32> to vector<1xf32>
      %squeeze3A_976 = vector.extract %slice3A_975[0] : f32 from vector<1xf32>
      %add3A_977 = arith.addf %add3A_968, %squeeze3A_976 : f32
      %slice3A_978 = vector.extract_strided_slice %add3A_883 {offsets = [10], sizes = [1], strides = [1]} : vector<16xf32> to vector<1xf32>
      %squeeze3A_979 = vector.extract %slice3A_978[0] : f32 from vector<1xf32>
      %add3A_980 = arith.addf %add3A_971, %squeeze3A_979 : f32
      %slice3A_981 = vector.extract_strided_slice %add3A_531 {offsets = [10], sizes = [1], strides = [1]} : vector<16xf32> to vector<1xf32>
      %squeeze3A_982 = vector.extract %slice3A_981[0] : f32 from vector<1xf32>
      %add3A_983 = arith.addf %add3A_974, %squeeze3A_982 : f32
      %slice3A_984 = vector.extract_strided_slice %add3A_873 {offsets = [11], sizes = [1], strides = [1]} : vector<16xf32> to vector<1xf32>
      %squeeze3A_985 = vector.extract %slice3A_984[0] : f32 from vector<1xf32>
      %add3A_986 = arith.addf %add3A_977, %squeeze3A_985 : f32
      %slice3A_987 = vector.extract_strided_slice %add3A_883 {offsets = [11], sizes = [1], strides = [1]} : vector<16xf32> to vector<1xf32>
      %squeeze3A_988 = vector.extract %slice3A_987[0] : f32 from vector<1xf32>
      %add3A_989 = arith.addf %add3A_980, %squeeze3A_988 : f32
      %slice3A_990 = vector.extract_strided_slice %add3A_531 {offsets = [11], sizes = [1], strides = [1]} : vector<16xf32> to vector<1xf32>
      %squeeze3A_991 = vector.extract %slice3A_990[0] : f32 from vector<1xf32>
      %add3A_992 = arith.addf %add3A_983, %squeeze3A_991 : f32
      %slice3A_993 = vector.extract_strided_slice %add3A_873 {offsets = [12], sizes = [1], strides = [1]} : vector<16xf32> to vector<1xf32>
      %squeeze3A_994 = vector.extract %slice3A_993[0] : f32 from vector<1xf32>
      %add3A_995 = arith.addf %add3A_986, %squeeze3A_994 : f32
      %slice3A_996 = vector.extract_strided_slice %add3A_883 {offsets = [12], sizes = [1], strides = [1]} : vector<16xf32> to vector<1xf32>
      %squeeze3A_997 = vector.extract %slice3A_996[0] : f32 from vector<1xf32>
      %add3A_998 = arith.addf %add3A_989, %squeeze3A_997 : f32
      %slice3A_999 = vector.extract_strided_slice %add3A_531 {offsets = [12], sizes = [1], strides = [1]} : vector<16xf32> to vector<1xf32>
      %squeeze3A_1000 = vector.extract %slice3A_999[0] : f32 from vector<1xf32>
      %add3A_1001 = arith.addf %add3A_992, %squeeze3A_1000 : f32
      %slice3A_1002 = vector.extract_strided_slice %add3A_873 {offsets = [13], sizes = [1], strides = [1]} : vector<16xf32> to vector<1xf32>
      %squeeze3A_1003 = vector.extract %slice3A_1002[0] : f32 from vector<1xf32>
      %add3A_1004 = arith.addf %add3A_995, %squeeze3A_1003 : f32
      %slice3A_1005 = vector.extract_strided_slice %add3A_883 {offsets = [13], sizes = [1], strides = [1]} : vector<16xf32> to vector<1xf32>
      %squeeze3A_1006 = vector.extract %slice3A_1005[0] : f32 from vector<1xf32>
      %add3A_1007 = arith.addf %add3A_998, %squeeze3A_1006 : f32
      %slice3A_1008 = vector.extract_strided_slice %add3A_531 {offsets = [13], sizes = [1], strides = [1]} : vector<16xf32> to vector<1xf32>
      %squeeze3A_1009 = vector.extract %slice3A_1008[0] : f32 from vector<1xf32>
      %add3A_1010 = arith.addf %add3A_1001, %squeeze3A_1009 : f32
      %slice3A_1011 = vector.extract_strided_slice %add3A_873 {offsets = [14], sizes = [1], strides = [1]} : vector<16xf32> to vector<1xf32>
      %squeeze3A_1012 = vector.extract %slice3A_1011[0] : f32 from vector<1xf32>
      %add3A_1013 = arith.addf %add3A_1004, %squeeze3A_1012 : f32
      %slice3A_1014 = vector.extract_strided_slice %add3A_883 {offsets = [14], sizes = [1], strides = [1]} : vector<16xf32> to vector<1xf32>
      %squeeze3A_1015 = vector.extract %slice3A_1014[0] : f32 from vector<1xf32>
      %add3A_1016 = arith.addf %add3A_1007, %squeeze3A_1015 : f32
      %slice3A_1017 = vector.extract_strided_slice %add3A_531 {offsets = [14], sizes = [1], strides = [1]} : vector<16xf32> to vector<1xf32>
      %squeeze3A_1018 = vector.extract %slice3A_1017[0] : f32 from vector<1xf32>
      %add3A_1019 = arith.addf %add3A_1010, %squeeze3A_1018 : f32
      %slice3A_1020 = vector.extract_strided_slice %add3A_873 {offsets = [15], sizes = [1], strides = [1]} : vector<16xf32> to vector<1xf32>
      %squeeze3A_1021 = vector.extract %slice3A_1020[0] : f32 from vector<1xf32>
      %add3A_1022 = arith.addf %add3A_1013, %squeeze3A_1021 : f32
      %slice3A_1023 = vector.extract_strided_slice %add3A_883 {offsets = [15], sizes = [1], strides = [1]} : vector<16xf32> to vector<1xf32>
      %squeeze3A_1024 = vector.extract %slice3A_1023[0] : f32 from vector<1xf32>
      %add3A_1025 = arith.addf %add3A_1016, %squeeze3A_1024 : f32
      %slice3A_1026 = vector.extract_strided_slice %add3A_531 {offsets = [15], sizes = [1], strides = [1]} : vector<16xf32> to vector<1xf32>
      %squeeze3A_1027 = vector.extract %slice3A_1026[0] : f32 from vector<1xf32>
      %add3A_1028 = arith.addf %add3A_1019, %squeeze3A_1027 : f32
      %eq3A_1029 = arith.constant 0 : i32
      %eq3A_1030 = vector.broadcast %eq3A_1029 : i32 to vector<16xi32>
      %eq3A_1031 = arith.cmpi eq, %iota3A, %eq3A_1030 : vector<16xi32>
      %eq3A_1032 = arith.constant 1 : i32
      %eq3A_1033 = vector.broadcast %eq3A_1032 : i32 to vector<16xi32>
      %eq3A_1034 = arith.cmpi eq, %iota3A, %eq3A_1033 : vector<16xi32>
      %eq3A_1035 = arith.constant 2 : i32
      %eq3A_1036 = vector.broadcast %eq3A_1035 : i32 to vector<16xi32>
      %eq3A_1037 = arith.cmpi eq, %iota3A, %eq3A_1036 : vector<16xi32>
      %jit3A = arith.constant 0.000000e+00 : f32
      %broadcast_in_dim3A_1038 = vector.broadcast %add3A_1028 : f32 to vector<16xf32>
      %broadcast_in_dim3A_1039 = vector.broadcast %jit3A : f32 to vector<16xf32>
      %select_n3A = arith.select %eq3A_1037, %broadcast_in_dim3A_1038, %broadcast_in_dim3A_1039 : vector<16xi1>, vector<16xf32>
      %broadcast_in_dim3A_1040 = vector.broadcast %add3A_1025 : f32 to vector<16xf32>
      %select_n3A_1041 = arith.select %eq3A_1034, %broadcast_in_dim3A_1040, %select_n3A : vector<16xi1>, vector<16xf32>
      %broadcast_in_dim3A_1042 = vector.broadcast %add3A_1022 : f32 to vector<16xf32>
      %select_n3A_1043 = arith.select %eq3A_1031, %broadcast_in_dim3A_1042, %select_n3A_1041 : vector<16xi1>, vector<16xf32>
      %swap3A_1044 = arith.constant 0 : i32
      %swap3A_1045 = arith.index_cast %swap3A_1044 : i32 to index
      %swap3A_1046 = arith.constant 0 : index
      %swap3A_1047 = tpu.vector_load %arg12[%swap3A_1045, %swap3A_1046] {strides = array<i32>} : memref<1x16xf32, #tpu.memory_space<vmem>>, vector<1x16xf32>,
      %swap3A_1048 = vector.shape_cast %swap3A_1047 : vector<1x16xf32> to vector<16xf32>
      %swap3A_1049 = vector.shape_cast %select_n3A_1043 : vector<16xf32> to vector<1x16xf32>
      tpu.vector_store %arg12[%swap3A_1045, %swap3A_1046], %swap3A_1049 {strides = array<i32>} : memref<1x16xf32, #tpu.memory_space<vmem>>, vector<1x16xf32>,
      "tpu.region"() ({
        %run_scoped3A = tpu.sem_alloc : memref<!tpu.dma_semaphore, #tpu.memory_space<semaphore_mem>>
        %dma_start3A_1056 = arith.constant 0 : i32
        %dma_start3A_1057 = tpu.memref_slice %arg13[%dma_start3A_1056] : memref<16xi32, #tpu.memory_space<vmem>> -> memref<1xi32, #tpu.memory_space<vmem>>
        %dma_start3A_1058 = arith.constant 0 : i32
        %dma_start3A_1059 = arith.constant 0 : i32
        %dma_start3A_1060 = tpu.memref_slice %arg16[%dma_start3A_1058, %dma_start3A_1059] : memref<1x16xf32, #tpu.memory_space<vmem_shared>> -> memref<1x16xf32, #tpu.memory_space<vmem_shared>>
        tpu.enqueue_indirect_dma source(%arg12 : memref<1x16xf32, #tpu.memory_space<vmem>>) target(%dma_start3A_1060 : memref<1x16xf32, #tpu.memory_space<vmem_shared>>) offsets(%dma_start3A_1057 : memref<1xi32, #tpu.memory_space<vmem>>) semaphore(%run_scoped3A : memref<!tpu.dma_semaphore, #tpu.memory_space<semaphore_mem>>) {add = true}
        %dma_wait3A_1061 = arith.constant 0 : i32
        %dma_wait3A_1062 = tpu.memref_slice %arg13[%dma_wait3A_1061] : memref<16xi32, #tpu.memory_space<vmem>> -> memref<1xi32, #tpu.memory_space<vmem>>
        %dma_wait3A_1063 = arith.constant 0 : i32
        %dma_wait3A_1064 = arith.constant 0 : i32
        %dma_wait3A_1065 = tpu.memref_slice %arg16[%dma_wait3A_1063, %dma_wait3A_1064] : memref<1x16xf32, #tpu.memory_space<vmem_shared>> -> memref<1x16xf32, #tpu.memory_space<vmem_shared>>
        tpu.wait_indirect_dma semaphore(%run_scoped3A : memref<!tpu.dma_semaphore, #tpu.memory_space<semaphore_mem>>) src(%arg12 : memref<1x16xf32, #tpu.memory_space<vmem>>) dst(%dma_wait3A_1065 : memref<1x16xf32, #tpu.memory_space<vmem_shared>>)
        tpu.yield
      }) : () -> ()
      %barrier3A_1050 = arith.constant 0 : index
      tpu.barrier barrier_id(%barrier3A_1050)
      %eq3A_1051 = arith.constant 0 : i32
      %eq3A_1052 = arith.cmpi eq, %arg1, %eq3A_1051 : i32
      %convert_element_type3A_1053 = arith.extui %eq3A_1052 : i1 to i32
      %cond3A_1054 = arith.constant 0 : i32
      %cond3A_1055 = arith.cmpi ne, %convert_element_type3A_1053, %cond3A_1054 : i32
      scf.if %cond3A_1055 {
        %run_scoped3A = arith.constant 0 : i32
        "tpu.region"() ({
          %run_scoped3A_1073 = tpu.sem_alloc : memref<!tpu.dma_semaphore, #tpu.memory_space<semaphore_mem>>
          %dma_start3A_1074 = arith.constant 0 : i32
          %dma_start3A_1075 = tpu.memref_slice %arg16[%run_scoped3A, %dma_start3A_1074] : memref<1x16xf32, #tpu.memory_space<vmem_shared>> -> memref<1x16xf32, #tpu.memory_space<vmem_shared>>
          %dma_start3A_1076 = tpu.memref_squeeze %dma_start3A_1075 : memref<1x16xf32, #tpu.memory_space<vmem_shared>> -> memref<16xf32, #tpu.memory_space<vmem_shared>>
          %dma_start3A_1077 = arith.constant 0 : i32
          %dma_start3A_1078 = tpu.memref_slice %arg16[%run_scoped3A, %dma_start3A_1077] : memref<1x16xf32, #tpu.memory_space<vmem_shared>> -> memref<1x16xf32, #tpu.memory_space<vmem_shared>>
          %dma_start3A_1079 = tpu.memref_squeeze %dma_start3A_1078 : memref<1x16xf32, #tpu.memory_space<vmem_shared>> -> memref<16xf32, #tpu.memory_space<vmem_shared>>
          tpu.enqueue_dma source(%dma_start3A_1079 : memref<16xf32, #tpu.memory_space<vmem_shared>>) target(%arg14 : memref<16xf32, #tpu.memory_space<vmem>>) target_semaphore(%run_scoped3A_1073 : memref<!tpu.dma_semaphore, #tpu.memory_space<semaphore_mem>>)
          %dma_wait3A_1080 = arith.constant 0 : i32
          %dma_wait3A_1081 = tpu.memref_slice %arg16[%run_scoped3A, %dma_wait3A_1080] : memref<1x16xf32, #tpu.memory_space<vmem_shared>> -> memref<1x16xf32, #tpu.memory_space<vmem_shared>>
          %dma_wait3A_1082 = tpu.memref_squeeze %dma_wait3A_1081 : memref<1x16xf32, #tpu.memory_space<vmem_shared>> -> memref<16xf32, #tpu.memory_space<vmem_shared>>
          %dma_wait3A_1083 = arith.constant 0 : i32
          %dma_wait3A_1084 = tpu.memref_slice %arg16[%run_scoped3A, %dma_wait3A_1083] : memref<1x16xf32, #tpu.memory_space<vmem_shared>> -> memref<1x16xf32, #tpu.memory_space<vmem_shared>>
          %dma_wait3A_1085 = tpu.memref_squeeze %dma_wait3A_1084 : memref<1x16xf32, #tpu.memory_space<vmem_shared>> -> memref<16xf32, #tpu.memory_space<vmem_shared>>
          tpu.wait_dma2 semaphore(%run_scoped3A_1073 : memref<!tpu.dma_semaphore, #tpu.memory_space<semaphore_mem>>) src(%dma_wait3A_1085 : memref<16xf32, #tpu.memory_space<vmem_shared>>) dst(%arg14 : memref<16xf32, #tpu.memory_space<vmem>>)
          tpu.yield
        }) : () -> ()
        %get3A_1056 = arith.constant 0 : index
        %get3A_1057 = tpu.vector_load %arg14[%get3A_1056] {strides = array<i32>} : memref<16xf32, #tpu.memory_space<vmem>>, vector<16xf32>,
        %get3A_1058 = vector.shape_cast %get3A_1057 : vector<16xf32> to vector<16xf32>
        %slice3A_1059 = vector.extract_strided_slice %get3A_1058 {offsets = [2], sizes = [1], strides = [1]} : vector<16xf32> to vector<1xf32>
        %squeeze3A_1060 = vector.extract %slice3A_1059[0] : f32 from vector<1xf32>
        %add3A_1061 = arith.constant 9.99999974E-5 : f32
        %add3A_1062 = arith.addf %squeeze3A_1060, %add3A_1061 : f32
        %broadcast_in_dim3A_1063 = vector.broadcast %add3A_1062 : f32 to vector<16xf32>
        %ge3A = arith.constant 2 : i32
        %ge3A_1064 = vector.broadcast %ge3A : i32 to vector<16xi32>
        %ge3A_1065 = arith.cmpi sge, %iota3A, %ge3A_1064 : vector<16xi32>
        %jit3A_1066 = arith.constant 0.000000e+00 : f32
        %broadcast_in_dim3A_1067 = vector.broadcast %jit3A_1066 : f32 to vector<16xf32>
        %select_n3A_1068 = arith.select %ge3A_1065, %broadcast_in_dim3A_1067, %get3A_1058 : vector<16xi1>, vector<16xf32>
        %div3A = arith.divf %select_n3A_1068, %broadcast_in_dim3A_1063 : vector<16xf32>
        %swap3A_1069 = arith.constant 0 : index
        %swap3A_1070 = tpu.vector_load %arg15[%swap3A_1069] {strides = array<i32>} : memref<16xf32, #tpu.memory_space<vmem>>, vector<16xf32>,
        %swap3A_1071 = vector.shape_cast %swap3A_1070 : vector<16xf32> to vector<16xf32>
        %swap3A_1072 = vector.shape_cast %div3A : vector<16xf32> to vector<16xf32>
        tpu.vector_store %arg15[%swap3A_1069], %swap3A_1072 {strides = array<i32>} : memref<16xf32, #tpu.memory_space<vmem>>, vector<16xf32>,
        "tpu.region"() ({
          %run_scoped3A_1073 = tpu.sem_alloc : memref<!tpu.dma_semaphore, #tpu.memory_space<semaphore_mem>>
          %dma_start3A_1074 = arith.constant 0 : i32
          %dma_start3A_1075 = tpu.memref_slice %arg15[%dma_start3A_1074] : memref<16xf32, #tpu.memory_space<vmem>> -> memref<2xf32, #tpu.memory_space<vmem>>
          %dma_start3A_1076 = arith.constant 0 : i32
          %dma_start3A_1077 = tpu.memref_slice %arg15[%dma_start3A_1076] : memref<16xf32, #tpu.memory_space<vmem>> -> memref<2xf32, #tpu.memory_space<vmem>>
          tpu.enqueue_dma source(%dma_start3A_1077 : memref<2xf32, #tpu.memory_space<vmem>>) target(%arg6 : memref<2xf32, #tpu.memory_space<hbm>>) target_semaphore(%run_scoped3A_1073 : memref<!tpu.dma_semaphore, #tpu.memory_space<semaphore_mem>>)
          %dma_wait3A_1078 = arith.constant 0 : i32
          %dma_wait3A_1079 = tpu.memref_slice %arg15[%dma_wait3A_1078] : memref<16xf32, #tpu.memory_space<vmem>> -> memref<2xf32, #tpu.memory_space<vmem>>
          %dma_wait3A_1080 = arith.constant 0 : i32
          %dma_wait3A_1081 = tpu.memref_slice %arg15[%dma_wait3A_1080] : memref<16xf32, #tpu.memory_space<vmem>> -> memref<2xf32, #tpu.memory_space<vmem>>
          tpu.wait_dma2 semaphore(%run_scoped3A_1073 : memref<!tpu.dma_semaphore, #tpu.memory_space<semaphore_mem>>) src(%dma_wait3A_1081 : memref<2xf32, #tpu.memory_space<vmem>>) dst(%arg6 : memref<2xf32, #tpu.memory_space<hbm>>)
          tpu.yield
        }) : () -> ()
      } else {
      }
    } else {
    }
    return
  }
}

</mosaic_0001>

<sc_bundles>
// kernel: _reg_loss_sc.3.cloned.1.call-start
scs
__scs_entry_jumppad:
0x0: {  	(pc) =	sbr.rel $0x88, $3  }
0x1: {  	(tag) =	ssettag $0x0;
	lr =	simm.s32 $0x1  }
0x2: {  	[smem:$0x3F9D] =	sst lr;
	_ =	strace $0xD0000000  }
0x3: {  	_ = 	snop  }
0x4: {  	_ = 	snop  }
0x5: {  	_ = 	snop  }
0x6: {  	_ = 	snop  }
0x7: {  	_ = 	snop  }
__scs_overlays_trampoline_lowered:
0x8: {  	[smem:$0x3FAC] =	sst s0  }
0x9: {  	[smem:$0x3FAD] =	sst s1  }
0xa: {  	[smem:$0x3FAE] =	sst s2  }
0xb: {  	[smem:$0x3FAF] =	sst s3  }
0xc: {  	[smem:$0x3FB0] =	sst s4  }
0xd: {  	[smem:$0x3FB1] =	sst s5  }
0xe: {  	[smem:$0x3FB2] =	sst s6  }
0xf: {  	[smem:$0x3FB3] =	sst s7  }
0x10: {  	[smem:$0x3FB4] =	sst s8  }
0x11: {  	[smem:$0x3FB5] =	sst s9;
	s0 =	simm.s32 @!p0 $0x0  }
0x12: {  	s1 =	sld [smem:$0x3F9B];
	s0 =	simm.s32 @p0 $0x1  }
0x13: {  	[smem:$0x3FB6] =	sst s0;
	s0 =	simm.s32 @!p1 $0x0  }
0x14: {  	s2 =	sld [smem:$0x3F9A];
	s0 =	simm.s32 @p1 $0x1  }
0x15: {  	[smem:$0x3FB7] =	sst s0;
	s0 =	simm.s32 @!p2 $0x0  }
0x16: {  	s3 =	sld [smem:$0x3FDB];
	s0 =	simm.s32 @p2 $0x1  }
0x17: {  	s4 =	simm.s32 $0x1BF5;
	[smem:$0x3FB9] =	sst s0  }
0x18: {  	s0 =	sld [smem:$0x3F9C];
	_ =	swait.ge [sflag:s4], $0x0  }
0x19: {  	s7 =	sld [smem:$0x3F9D]  }
0x1a: {  	s8 =	sadd.s32 $0xFFFFE003, lr  }
0x1b: {  	s9 =	sadd.s32 $0xFFFFFEF7, lr;
	s5 =	simm.s32 $0xFFFFFFFF;
	p2 =	slt.u32 s8, $0xFFFFF086  }
0x1c: {  	p1 =	slt.u32 s9, $0xF7A;
	s5 =	simm.s32 @!p2 $0x0  }
0x1d: {  	s5 =	simm.s32 @p1 $0x1;
	p0 =	seq.s32 s7, s2  }
0x1e: {  	s7 =	smul.u32 @!p0 $0xF7A, s2;
	p2 =	seq.s32 @!p0 s5, $0x0  }
0x1f: {  	s9 =	smul.u32 $0xF7A, s1;
	s8 =	simm.s32 @!p0 $0x1BF5;
	p2 =	por !p2, p0  }
0x20: {  	[sflag:s8] =	ssyncset.s32 @!p0 $0xFFFFF086;
	s6 =	sadd.s32 @!p0 s3, s7;
	s7 =	simm.s32 @!p0 $0x108  }
0x21: {  	s3 =	sadd.s32 s3, s9;
	s6 =	sadd.s32 @!p0 $0x88, s6;
	s7 =	simm.s32 @p2 $0x1082  }
0x22: {  	[simem:s7], [sflag:s8] =	dma.local @!p0 [hbm:s6], $0xF7A  }
0x23: {  	s9 =	sor.u32 $0xD0000000, s2;
	s6 =	simm.s32 $0x108;
	_ =	swait.ge @!p0 [sflag:s8], $0x0  }
0x24: {  	s3 =	sadd.s32 $0x88, s3;
	s6 =	simm.s32 @!p1 $0x1082;
	[sflag:s4] =	ssyncset.s32 $0xFFFFF086  }
0x25: {  	[simem:s6], [sflag:s4] =	dma.local [hbm:s3], $0xF7A  }
0x26: {  	[smem:$0x3F9D] =	sst s1;
	(tag) =	ssettag s2;
	_ =	strace s9  }
0x27: {  	s1 =	sld [smem:$0x3FAD]  }
0x28: {  	s2 =	sld [smem:$0x3FAE]  }
0x29: {  	s4 =	sld [smem:$0x3FB0]  }
0x2a: {  	p0 =	seq.s32 s5, $0x0;
	s5 =	sld [smem:$0x3FB1]  }
0x2b: {  	s6 =	sld [smem:$0x3FB2]  }
0x2c: {  	s7 =	sld [smem:$0x3FB3]  }
0x2d: {  	s3 =	simm.s32 $0x108;
	s8 =	sld [smem:$0x3FB4]  }
0x2e: {  	s3 =	simm.s32 @!p0 $0x1082;
	s9 =	sld [smem:$0x3FB5]  }
0x2f: {  	lr =	sadd.s32 s0, s3;
	s0 =	sld [smem:$0x3FAC]  }
0x30: {  	s3 =	sld [smem:$0x3FAF]  }
0x31: {  	[smem:$0x3FB8] =	sst s10  }
0x32: {  	s10 =	sld [smem:$0x3FB6];
	_ =	sdelay $0x3  }
0x33: {  	p0 =	seq.s32 s10, $0x1;
	s10 =	sld [smem:$0x3FB8];
	_ =	sdelay $0x3  }
0x34: {  	[smem:$0x3FB8] =	sst s10  }
0x35: {  	s10 =	sld [smem:$0x3FB7];
	_ =	sdelay $0x3  }
0x36: {  	p1 =	seq.s32 s10, $0x1;
	s10 =	sld [smem:$0x3FB8];
	_ =	sdelay $0x3  }
0x37: {  	[smem:$0x3FB8] =	sst s10  }
0x38: {  	s10 =	sld [smem:$0x3FB9]  }
0x39: {  	_ = 	snop;
	(pc) =	sbr.ind lr, $3  }
0x3a: {  	_ = 	snop  }
0x3b: {  	_ = 	snop  }
0x3c: {  	p2 =	seq.s32 s10, $0x1;
	s10 =	sld [smem:$0x3FB8]  }
0x3d: {  	_ =	shalt  }
0x3e: {  	_ =	shalt  }
0x3f: {  	_ =	shalt  }
0x40: {  	_ =	shalt  }
0x41: {  	_ =	shalt  }
0x42: {  	_ =	shalt  }
0x43: {  	_ =	shalt  }
0x44: {  	_ =	shalt  }
0x45: {  	_ =	shalt  }
0x46: {  	_ =	shalt  }
0x47: {  	_ =	shalt  }
0x48: {  	_ =	shalt  }
0x49: {  	_ =	shalt  }
0x4a: {  	_ =	shalt  }
0x4b: {  	_ =	shalt  }
0x4c: {  	_ =	shalt  }
0x4d: {  	_ =	shalt  }
0x4e: {  	_ =	shalt  }
0x4f: {  	_ =	shalt  }
0x50: {  	_ =	shalt  }
0x51: {  	_ =	shalt  }
0x52: {  	_ =	shalt  }
0x53: {  	_ =	shalt  }
0x54: {  	_ =	shalt  }
0x55: {  	_ =	shalt  }
0x56: {  	_ =	shalt  }
0x57: {  	_ =	shalt  }
0x58: {  	_ =	shalt  }
0x59: {  	_ =	shalt  }
0x5a: {  	_ =	shalt  }
0x5b: {  	_ =	shalt  }
0x5c: {  	_ =	shalt  }
0x5d: {  	_ =	shalt  }
0x5e: {  	_ =	shalt  }
0x5f: {  	_ =	shalt  }
0x60: {  	_ =	shalt  }
0x61: {  	_ =	shalt  }
0x62: {  	_ =	shalt  }
0x63: {  	_ =	shalt  }
0x64: {  	_ =	shalt  }
0x65: {  	_ =	shalt  }
0x66: {  	_ =	shalt  }
0x67: {  	_ =	shalt  }
0x68: {  	_ =	shalt  }
0x69: {  	_ =	shalt  }
0x6a: {  	_ =	shalt  }
0x6b: {  	_ =	shalt  }
0x6c: {  	_ =	shalt  }
0x6d: {  	_ =	shalt  }
0x6e: {  	_ =	shalt  }
0x6f: {  	_ =	shalt  }
0x70: {  	_ =	shalt  }
0x71: {  	_ =	shalt  }
0x72: {  	_ =	shalt  }
0x73: {  	_ =	shalt  }
0x74: {  	_ =	shalt  }
0x75: {  	_ =	shalt  }
0x76: {  	_ =	shalt  }
0x77: {  	_ =	shalt  }
0x78: {  	_ =	shalt  }
0x79: {  	_ =	shalt  }
0x7a: {  	_ =	shalt  }
0x7b: {  	_ =	shalt  }
0x7c: {  	_ =	shalt  }
0x7d: {  	_ =	shalt  }
0x7e: {  	_ =	shalt  }
0x7f: {  	_ =	shalt  }
0x80: {  	_ =	shalt  }
0x81: {  	_ =	shalt  }
0x82: {  	_ =	shalt  }
0x83: {  	_ =	shalt  }
0x84: {  	_ =	shalt  }
0x85: {  	_ =	shalt  }
0x86: {  	_ =	shalt  }
0x87: {  	_ =	shalt  }
.Lfunc_end0:
.L_simem_size_0:
called_computation_lowered:
.L_overlay_start_0:
0x88: {  	s0 =	sld [smem:$0x3FD9]  }
0x89: {  	s1 =	sld [smem:$0x3FFE];
	_ =	sdelay $0x3  }
0x8a: {  	s0 =	sadd.s32 s1, s0  }
0x8b: {  	[smem:$0x3FC4] =	sst s0  }
0x8c: {  	_ = 	snop  }
0x8d: {  	s0 =	sld [smem:$0x3FC9]  }
0x8e: {  	s17 =	sld [smem:$0x3FC8]  }
0x8f: {  	s2 =	sld [smem:$0x3FC7]  }
0x90: {  	s3 =	sld [smem:$0x3FC6]  }
0x91: {  	s4 =	sld [smem:$0x3FD0];
	(tm) =	ssettm $0x1  }
0x92: {  	s5 =	sld [smem:$0x3FFB];
	_ =	sdelay $0x3  }
0x93: {  	_ =	strace s5  }
0x94: {  	s5 =	sld [smem:$0x3FFC];
	_ =	sdelay $0x3  }
0x95: {  	_ =	strace s5  }
0x96: {  	s5 =	sld [smem:$0x3FFD];
	_ =	sdelay $0x3  }
0x97: {  	_ =	strace s5  }
0x98: {  	_ =	strace $0x8FFFFFFF  }
0x99: {  	s18 =	sld [smem:$0x3FDB];
	_ =	sdelay $0x1  }
0x9a: {  	s6 =	simm.s32 $_scs_section_size  }
0x9b: {  	s7 =	simm.s32 $_size__tile_overlayer_lowered;
	s8 =	simm.s32 $_tile_overlayer_lowered  }
0x9c: {  	s21 =	simm.s32 $0x1BFF;
	s20 =	sshll.u32 s8, $0x1;
	s5 =	sadd.s32 s6, s18  }
0x9d: {  	s9 =	simm.s32 $0x0;
	s19 =	sshll.u32 s7, $0x1;
	s7 =	sadd.s32 s20, s5  }
0x9e: {  	[timem:s9], [sflag:s21] =	dma.local [hbm:s7], s19  }
0x9f: {  	_ =	swait.ge [sflag:s21], s19  }
0xa0: {  	s6 =	ssub.s32 $0x0, s19;
	[sflag:s21] =	ssyncset.done $0x0  }
0xa1: {  	[sflag:s21] =	ssyncadd.s32 s6;
	_ =	sdelay $0x1  }
0xa2: {  	s22 =	simm.s32 $0x1B8B  }
0xa3: {  	_ =	swait.ge [sflag:s22], $0x1  }
0xa4: {  	[sflag:s22] =	ssyncset.done $0x0  }
0xa5: {  	s23 =	simm.s32 $0x1B8E;
	[sflag:s22] =	ssyncadd.s32 $0xFFFFFFFF  }
0xa6: {  	s24 =	simm.s32 $execute0_lowered;
	[smem:$0x3FD2] =	sst s23  }
0xa7: {  	s6 =	sshll.u32 s24, $0x1;
	_ =	strace $0x80000046;
	[dreg:$0x1] =	wrdreg $0xFFFFFFFF  }
0xa8: {  	s25 =	simm.s32 $_size_execute0_lowered;
	s5 =	sadd.s32 s5, s6;
	[dreg:$0x0] =	wrdreg $0x0  }
0xa9: {  	s6 =	sshll.u32 s25, $0x1;
	[dreg:$0x2] =	wrdreg s5  }
0xaa: {  	[dreg:$0x3] =	wrdreg s6  }
0xab: {  	[dreg:$0x4] =	wrdreg $0xC0  }
0xac: {  	_ =	task [dreg:s9], $0x5FFFF  }
0xad: {  	[dreg:$0x1] =	wrdreg $0xFFFFFFFF  }
0xae: {  	[dreg:$0x0] =	wrdreg $0x60  }
0xaf: {  	[dreg:$0x2] =	wrdreg s0  }
0xb0: {  	[dreg:$0x3] =	wrdreg s17  }
0xb1: {  	[dreg:$0x4] =	wrdreg s2  }
0xb2: {  	[dreg:$0x5] =	wrdreg s3  }
0xb3: {  	[dreg:$0x6] =	wrdreg s4  }
0xb4: {  	[dreg:$0x7] =	wrdreg $0xA000  }
0xb5: {  	[dreg:$0x8] =	wrdreg $0x9  }
0xb6: {  	_ =	task.clear_ibuf [dreg:s9], $0x9FFFF;
	_ =	strace $0x90000046  }
0xb7: {  	s26 =	simm.s32 $0x9;
	_ =	strace $0x80000048  }
0xb8: {  	_ =	swait.ge [sflag:s26], $0x1  }
0xb9: {  	[sflag:s26] =	ssyncadd.s32 $0xFFFFFFFF  }
0xba: {  	_ =	strace $0x90000048  }
0xbb: {  	_ =	sfence  }
0xbc: {  	s28 =	sld [smem:$0x0];
	_ =	sdelay $0x1  }
0xbd: {  	s29 =	srdreg.scid  }
0xbe: {  	s30 =	sshll.u32 s29, $0xD;
	s31 =	sshrl.u32 s29, $0x2  }
0xbf: {  	s1 =	sand.u32 $0x1, s29;
	s2 =	sand.u32 $0x4000, s30;
	s0 =	sadd.s32 s31, s28  }
0xc0: {  	s1 =	sor.u32 s2, s1;
	s0 =	sshll.u32 s0, $0x11  }
0xc1: {  	s0 =	sor.u32 s0, s1  }
0xc2: {  	s0 =	sadd.s32 $0x8F2B, s0  }
0xc3: {  	[sflag:s0] =	ssyncadd.remote.s32 $0x1  }
0xc4: {  	_ =	sfence.sel $0xFFFF  }
0xc5: {  	[dreg:$0x0] =	wrdreg $0xFFFFFFFF;
	(pc) =	sbr.abs _section_cstart, $3  }
0xc6: {  	[dreg:$0x1] =	wrdreg $0xFFFFFFFF  }
0xc7: {  	_ =	task.clear_ibuf [dreg:s9], $0x2FFFF;
	_ =	strace $0x9FFFFFFF  }
0xc8: {  	(tm) =	ssettm $0x7FFFFFFF  }
0xc9: {  	_ =	shalt  }
tec
execute0_lowered:
.L_overlay_start_1:
0x0: {  	(tag) =	ssettag $0x1  }
0x1: {  	s4 =	rddreg [dreg:$0x0]  }
0x2: {  	s2 =	rddreg [dreg:$0x1]  }
0x3: {  	s8 =	rddreg [dreg:$0x2]  }
0x4: {  	s6 =	rddreg [dreg:$0x3]  }
0x5: {  	s1 =	rddreg [dreg:$0x4]  }
0x6: {  	s3 =	rddreg [dreg:$0x5];
	s5 =	simm.s32 $0x0;
	s7 =	stileid.u32  }
0x7: {  	[smem:$0x7FF] =	sst s5;
	s9 =	sshll.u32 s7, $0x5  }
0x8: {  	s0 =	rddreg [dreg:$0x6];
	_ =	strace $0x80000047;
	s2 =	sadd.s32 s2, s9  }
0x9: {  	[tilespmem:s5], [sflag:$0x2] =	stream.linear.gather [hbm4b:s2+s5], $0x100, $0x38;
	[tilespmem:$0xA08] =	vst v63  }
0xa: {  	s19 =	simm.s32 $0x100;
	p0 =	sne.s32 s7, $0x0;
	s18 =	sadd.s32 s8, s9  }
0xb: {  	v0 =	vimm.s32 $0x0;
	[tilespmem:s19], [sflag:$0x3] =	stream.linear.gather [hbm4b:s18+s5], $0x100, $0x38;
	[tilespmem:$0xA08] =	vst v63  }
0xc: {  	[tilespmem:$0x880] =	vst v0;
	v0 =	vimm.f32 @!p0 $0.0e+00  }
0xd: {  	s2 =	simm.s32 @!p0 $0x800;
	[tilespmem:$0x800] =	vst @!p0 v0  }
0xe: {  	[spmem:s3] =	stream.linear.scatter @!p0 [tilespmem:s2], [sflag:$0x4], $0x80, $0x38;
	[tilespmem:$0xA08] =	vst v63  }
0xf: {  	s2 =	simm.s32 @!p0 $0x4  }
0x10: {  	v33 =	vlaneseq.u32;
	_ =	swait.ge @!p0 [sflag:s2], $0x80  }
0x11: {  	v0 =	vmul.u32 $0x2, v33;
	[sflag:s2] =	ssyncset.done @!p0 $0x0  }
0x12: {  	s20 =	sshll.u32 s7, $0x9;
	[sflag:s2] =	ssyncadd.s32 @!p0 $0xFFFFFF80  }
0x13: {  	s21 =	sor.u32 $0x20, s20;
	v1 =	vor.u32 s20, v0;
	[bflag:$0x0] =	sbarrier.arrive $0xFFFF  }
0x14: {  	s22 =	sor.u32 $0x40, s20;
	v2 =	vor.u32 s21, v0;
	[tilespmem:$0x200] =	vst v1  }
0x15: {  	s23 =	sor.u32 $0x60, s20;
	v34 =	vor.u32 s22, v0;
	[tilespmem:$0x210] =	vst v2  }
0x16: {  	s24 =	sor.u32 $0x80, s20;
	v35 =	vor.u32 s23, v0;
	[tilespmem:$0x220] =	vst v34  }
0x17: {  	s25 =	sor.u32 $0xA0, s20;
	v36 =	vor.u32 s24, v0;
	[tilespmem:$0x230] =	vst v35  }
0x18: {  	s26 =	sor.u32 $0xC0, s20;
	v37 =	vor.u32 s25, v0;
	[tilespmem:$0x240] =	vst v36  }
0x19: {  	s28 =	sor.u32 $0xE0, s20;
	v38 =	vor.u32 s26, v0;
	[tilespmem:$0x250] =	vst v37  }
0x1a: {  	s29 =	sor.u32 $0x1, s20;
	v39 =	vor.u32 s28, v0;
	[tilespmem:$0x260] =	vst v38  }
0x1b: {  	s30 =	sor.u32 $0x21, s20;
	v40 =	vor.u32 s29, v0;
	[tilespmem:$0x270] =	vst v39  }
0x1c: {  	s31 =	sor.u32 $0x41, s20;
	v41 =	vor.u32 s30, v0;
	[tilespmem:$0x280] =	vst v40  }
0x1d: {  	s10 =	sor.u32 $0x61, s20;
	v42 =	vor.u32 s31, v0;
	[tilespmem:$0x290] =	vst v41  }
0x1e: {  	s11 =	sor.u32 $0x81, s20;
	v43 =	vor.u32 s10, v0;
	[tilespmem:$0x2A0] =	vst v42  }
0x1f: {  	s12 =	sor.u32 $0xA1, s20;
	v44 =	vor.u32 s11, v0;
	[tilespmem:$0x2B0] =	vst v43  }
0x20: {  	s13 =	sor.u32 $0xC1, s20;
	v45 =	vor.u32 s12, v0;
	[tilespmem:$0x2C0] =	vst v44  }
0x21: {  	s14 =	sor.u32 $0xE1, s20;
	s8 =	sshllo.u32 s7, $0x1;
	v46 =	vor.u32 s13, v0;
	[tilespmem:$0x2D0] =	vst v45  }
0x22: {  	s15 =	sshll.u32 s8, $0x8;
	v47 =	vor.u32 s14, v0;
	[tilespmem:$0x2E0] =	vst v46  }
0x23: {  	v48 =	vor.u32 s15, v0;
	s10 =	sor.u32 $0x20, s15;
	[tilespmem:$0x2F0] =	vst v47  }
0x24: {  	s16 =	sor.u32 $0x40, s15;
	v49 =	vor.u32 s10, v0;
	[tilespmem:$0x300] =	vst v48  }
0x25: {  	s17 =	sor.u32 $0x60, s15;
	v50 =	vor.u32 s16, v0;
	[tilespmem:$0x310] =	vst v49  }
0x26: {  	s18 =	sor.u32 $0x80, s15;
	v51 =	vor.u32 s17, v0;
	[tilespmem:$0x320] =	vst v50  }
0x27: {  	s19 =	sor.u32 $0xA0, s15;
	v52 =	vor.u32 s18, v0;
	[tilespmem:$0x330] =	vst v51  }
0x28: {  	v53 =	vor.u32 s19, v0;
	s20 =	sor.u32 $0xC0, s15;
	[tilespmem:$0x340] =	vst v52  }
0x29: {  	s21 =	sor.u32 $0xE0, s15;
	v54 =	vor.u32 s20, v0;
	[tilespmem:$0x350] =	vst v53  }
0x2a: {  	s22 =	sor.u32 $0x1, s15;
	v55 =	vor.u32 s21, v0;
	[tilespmem:$0x360] =	vst v54  }
0x2b: {  	s23 =	sor.u32 $0x21, s15;
	v56 =	vor.u32 s22, v0;
	[tilespmem:$0x370] =	vst v55  }
0x2c: {  	s24 =	sor.u32 $0x41, s15;
	v57 =	vor.u32 s23, v0;
	[tilespmem:$0x380] =	vst v56  }
0x2d: {  	s25 =	sor.u32 $0x61, s15;
	v58 =	vor.u32 s24, v0;
	[tilespmem:$0x390] =	vst v57  }
0x2e: {  	s26 =	sor.u32 $0x81, s15;
	v59 =	vor.u32 s25, v0;
	[tilespmem:$0x3A0] =	vst v58  }
0x2f: {  	s28 =	sor.u32 $0xA1, s15;
	v60 =	vor.u32 s26, v0;
	[tilespmem:$0x3B0] =	vst v59  }
0x30: {  	s29 =	sor.u32 $0xC1, s15;
	v61 =	vor.u32 s28, v0;
	[tilespmem:$0x3C0] =	vst v60  }
0x31: {  	s9 =	sor.u32 $0xE1, s15;
	v62 =	vor.u32 s29, v0;
	[tilespmem:$0x3D0] =	vst v61  }
0x32: {  	v0 =	vor.u32 s9, v0;
	[tilespmem:$0x3E0] =	vst v62  }
0x33: {  	s30 =	simm.s32 $0x200;
	s31 =	simm.s32 $0x600;
	s11 =	simm.s32 $0x2;
	[tilespmem:$0x3F0] =	vst v0  }
0x34: {  	[tilespmem:s31], [sflag:$0x1] =	stream.indirect.gather [hbm4b:s6+s30], $0x1, s30, s30, $0xb8;
	[tilespmem:$0xA08] =	vst v63  }
0x35: {  	s7 =	sshll.u32 s7, $0xD;
	_ =	swait.ge [sflag:s11], $0x100  }
0x36: {  	s12 =	sadd.s32 s4, s7;
	s13 =	sadd.s32 $0x800, s4;
	[sflag:s11] =	ssyncset.done $0x0  }
0x37: {  	s14 =	simm.s32 $0x80;
	[sflag:s11] =	ssyncadd.s32 $0xFFFFFF00;
	s11 =	simm.s32 $0x400  }
0x38: {  	[tilespmem:s11], [sflag:$0x1] =	stream.indirect.gather [hbm4b:s12+s14], $0x1, s5, s14, $0xb8;
	[tilespmem:$0xA08] =	vst v63  }
0x39: {  	s8 =	sshll.u32 s8, $0xC;
	s15 =	simm.s32 $0x480;
	s7 =	sadd.s32 s7, s13  }
0x3a: {  	[tilespmem:s15], [sflag:$0x1] =	stream.indirect.gather [hbm4b:s7+s14], $0x1, s5, s14, $0xb8;
	[tilespmem:$0xA08] =	vst v63  }
0x3b: {  	s4 =	sadd.s32 s4, s8;
	s16 =	simm.s32 $0x500  }
0x3c: {  	[tilespmem:s16], [sflag:$0x1] =	stream.indirect.gather [hbm4b:s4+s14], $0x1, s14, s14, $0xb8;
	[tilespmem:$0xA08] =	vst v63  }
0x3d: {  	s18 =	simm.s32 $0x580;
	s19 =	simm.s32 $0x3;
	s17 =	sadd.s32 s8, s13  }
0x3e: {  	[tilespmem:s18], [sflag:$0x1] =	stream.indirect.gather [hbm4b:s17+s14], $0x1, s14, s14, $0xb8;
	[tilespmem:$0xA08] =	vst v63  }
0x3f: {  	_ =	swait.ge [sflag:s19], $0x100  }
0x40: {  	[sflag:s19] =	ssyncset.done $0x0  }
0x41: {  	[sflag:s19] =	ssyncadd.s32 $0xFFFFFF00  }
0x42: {  	v3 =	vld [tilespmem:$0x100]  }
0x43: {  	v4 =	vld [tilespmem:$0x110]  }
0x44: {  	v5 =	vld [tilespmem:$0x120]  }
0x45: {  	v6 =	vld [tilespmem:$0x130]  }
0x46: {  	v7 =	vld [tilespmem:$0x140]  }
0x47: {  	v8 =	vld [tilespmem:$0x150]  }
0x48: {  	v9 =	vld [tilespmem:$0x160]  }
0x49: {  	v10 =	vld [tilespmem:$0x170]  }
0x4a: {  	v11 =	vld [tilespmem:$0x180]  }
0x4b: {  	v12 =	vld [tilespmem:$0x190]  }
0x4c: {  	v13 =	vld [tilespmem:$0x1A0]  }
0x4d: {  	v14 =	vld [tilespmem:$0x1B0]  }
0x4e: {  	v15 =	vld [tilespmem:$0x1C0]  }
0x4f: {  	v2 =	vld [tilespmem:$0x1D0]  }
0x50: {  	s4 =	simm.s32 $0x1;
	v1 =	vld [tilespmem:$0x1E0]  }
0x51: {  	v0 =	vld [tilespmem:$0x1F0];
	_ =	swait.ge [sflag:s4], $0x200  }
0x52: {  	[sflag:s4] =	ssyncset.done $0x0  }
0x53: {  	[sflag:s4] =	ssyncadd.s32 $0xFFFFFE00  }
0x54: {  	_ =	swait.ge [sflag:s4], $0x80  }
0x55: {  	[sflag:s4] =	ssyncset.done $0x0  }
0x56: {  	[sflag:s4] =	ssyncadd.s32 $0xFFFFFF80  }
0x57: {  	_ =	swait.ge [sflag:s4], $0x80  }
0x58: {  	[sflag:s4] =	ssyncset.done $0x0  }
0x59: {  	[sflag:s4] =	ssyncadd.s32 $0xFFFFFF80  }
0x5a: {  	_ =	swait.ge [sflag:s4], $0x80  }
0x5b: {  	[sflag:s4] =	ssyncset.done $0x0  }
0x5c: {  	[sflag:s4] =	ssyncadd.s32 $0xFFFFFF80  }
0x5d: {  	_ =	swait.ge [sflag:s4], $0x80  }
0x5e: {  	[sflag:s4] =	ssyncset.done $0x0  }
0x5f: {  	[sflag:s4] =	ssyncadd.s32 $0xFFFFFF80  }
0x60: {  	v16 =	vld [tilespmem:$0x400]  }
0x61: {  	v17 =	vld [tilespmem:$0x600]  }
0x62: {  	v18 =	vld [tilespmem:$0x480]  }
0x63: {  	v19 =	vld [tilespmem:$0x680]  }
0x64: {  	v20 =	vld [tilespmem:$0x410]  }
0x65: {  	v21 =	vld [tilespmem:$0x610]  }
0x66: {  	v22 =	vld [tilespmem:$0x490]  }
0x67: {  	v23 =	vld [tilespmem:$0x690]  }
0x68: {  	v24 =	vld [tilespmem:$0x420]  }
0x69: {  	v25 =	vld [tilespmem:$0x620]  }
0x6a: {  	v26 =	vld [tilespmem:$0x4A0]  }
0x6b: {  	v27 =	vld [tilespmem:$0x6A0]  }
0x6c: {  	v29 =	vld [tilespmem:$0x430]  }
0x6d: {  	v30 =	vld [tilespmem:$0x630]  }
0x6e: {  	v3 =	vcvt.s32.f32 v3;
	v4 =	vcvt.s32.f32 v4;
	v31 =	vld [tilespmem:$0x4B0]  }
0x6f: {  	v32 =	vld [tilespmem:$0x6B0]  }
0x70: {  	v5 =	vcvt.s32.f32 v5;
	v28 =	vadd.f32 v4, v3;
	v33 =	vld [tilespmem:$0x440]  }
0x71: {  	v34 =	vld [tilespmem:$0x640]  }
0x72: {  	v6 =	vcvt.s32.f32 v6;
	v28 =	vadd.f32 v5, v28;
	v35 =	vld [tilespmem:$0x4C0]  }
0x73: {  	v36 =	vld [tilespmem:$0x6C0]  }
0x74: {  	v7 =	vcvt.s32.f32 v7;
	v28 =	vadd.f32 v6, v28;
	v37 =	vld [tilespmem:$0x450]  }
0x75: {  	v63 =	vld [tilespmem:$0x650]  }
0x76: {  	v8 =	vcvt.s32.f32 v8;
	v28 =	vadd.f32 v7, v28;
	v38 =	vld [tilespmem:$0x4D0]  }
0x77: {  	v39 =	vld [tilespmem:$0x460]  }
0x78: {  	v9 =	vcvt.s32.f32 v9;
	v28 =	vadd.f32 v8, v28;
	v44 =	vld [tilespmem:$0x660]  }
0x79: {  	v40 =	vld [tilespmem:$0x4E0]  }
0x7a: {  	v10 =	vcvt.s32.f32 v10;
	v45 =	vld [tilespmem:$0x6E0];
	v28 =	vadd.f32 v9, v28  }
0x7b: {  	v11 =	vcvt.s32.f32 v11;
	v47 =	vld [tilespmem:$0x670]  }
0x7c: {  	v12 =	vcvt.s32.f32 v12;
	v50 =	vld [tilespmem:$0x6F0];
	v28 =	vadd.f32 v10, v28;
	v16 =	vsub.f32 v16, v17  }
0x7d: {  	v13 =	vcvt.s32.f32 v13;
	v52 =	vld [tilespmem:$0x500];
	v20 =	vsub.f32 v20, v21;
	v18 =	vsub.f32 v18, v19  }
0x7e: {  	v14 =	vcvt.s32.f32 v14;
	v54 =	vld [tilespmem:$0x700];
	v22 =	vsub.f32 v22, v23;
	v24 =	vsub.f32 v24, v25  }
0x7f: {  	v15 =	vcvt.s32.f32 v15;
	v61 =	vld [tilespmem:$0x710];
	v48 =	vsub.f32 v26, v27;
	v49 =	vsub.f32 v29, v30  }
0x80: {  	v2 =	vcvt.s32.f32 v2;
	v21 =	vld [tilespmem:$0x6D0];
	v56 =	vsub.f32 v31, v32;
	v58 =	vsub.f32 v33, v34  }
0x81: {  	v1 =	vcvt.s32.f32 v1;
	v26 =	vld [tilespmem:$0x4F0];
	v60 =	vsub.f32 v35, v36;
	v17 =	vsub.f32 v37, v63  }
0x82: {  	v0 =	vcvt.s32.f32 v0;
	v29 =	vld [tilespmem:$0x580];
	v42 =	vsub.f32 v39, v44;
	v44 =	vsub.f32 v40, v45  }
0x83: {  	v30 =	vld [tilespmem:$0x510];
	v46 =	vadd.f32 v11, v28;
	v16 =	vand.u32 $0x7FFFFFFF, v16;
	v43 =	vand.u32 $0x7FFFFFFF, v20  }
0x84: {  	v32 =	vld [tilespmem:$0x590];
	v18 =	vand.u32 $0x7FFFFFFF, v18;
	v22 =	vand.u32 $0x7FFFFFFF, v22;
	v24 =	vand.u32 $0x7FFFFFFF, v24  }
0x85: {  	v63 =	vld [tilespmem:$0x790];
	v53 =	vand.u32 $0x7FFFFFFF, v49;
	v57 =	vand.u32 $0x7FFFFFFF, v56;
	v17 =	vand.u32 $0x7FFFFFFF, v17  }
0x86: {  	v34 =	vld [tilespmem:$0x520];
	v20 =	vand.u32 $0x7FFFFFFF, v44;
	v16 =	vmul.f32 v3, v16;
	v19 =	vmul.f32 v4, v43  }
0x87: {  	v36 =	vld [tilespmem:$0x720];
	v3 =	vmul.f32 v3, v18;
	v4 =	vmul.f32 v4, v22;
	v18 =	vadd.f32 v12, v46  }
0x88: {  	v45 =	vld [tilespmem:$0x530];
	v51 =	vmul.f32 v5, v24;
	v22 =	vand.u32 $0x7FFFFFFF, v48;
	v55 =	vmul.f32 v6, v53  }
0x89: {  	v27 =	vld [tilespmem:$0x750];
	v6 =	vmul.f32 v6, v57;
	v35 =	vmul.f32 v8, v17;
	v16 =	vadd.f32 $0.0e+00, v16  }
0x8a: {  	v31 =	vld [tilespmem:$0x7D0];
	v46 =	vand.u32 $0x7FFFFFFF, v42;
	v3 =	vadd.f32 $0.0e+00, v3;
	v18 =	vadd.f32 v13, v18  }
0x8b: {  	v43 =	vld [tilespmem:$0x7A0];
	v5 =	vmul.f32 v5, v22;
	v33 =	vsub.f32 v38, v21;
	v49 =	vsub.f32 v26, v50  }
0x8c: {  	v22 =	vand.u32 $0x7FFFFFFF, v58;
	v38 =	vld [tilespmem:$0x5A0];
	v21 =	vsub.f32 v34, v36;
	v16 =	vadd.f32 v19, v16  }
0x8d: {  	v28 =	vld [tilespmem:$0x5D0];
	v62 =	vmul.f32 v7, v22;
	v3 =	vadd.f32 v4, v3;
	v59 =	vadd.f32 v14, v18  }
0x8e: {  	v50 =	vld [tilespmem:$0x5B0];
	v18 =	vand.u32 $0x7FFFFFFF, v60;
	v37 =	vand.u32 $0x7FFFFFFF, v33;
	v60 =	vsub.f32 v30, v61  }
0x8f: {  	v19 =	vld [tilespmem:$0x470];
	v30 =	vand.u32 $0x7FFFFFFF, v21;
	v4 =	vadd.f32 v51, v16;
	v3 =	vadd.f32 v5, v3  }
0x90: {  	v7 =	vmul.f32 v7, v18;
	v5 =	vld [tilespmem:$0x780];
	v16 =	vadd.f32 v15, v59;
	v51 =	vsub.f32 v52, v54  }
0x91: {  	v41 =	vmul.f32 v8, v37;
	v52 =	vld [tilespmem:$0x7B0];
	v8 =	vsub.f32 v38, v43;
	v4 =	vadd.f32 v55, v4  }
0x92: {  	v44 =	vld [tilespmem:$0x770];
	v54 =	vand.u32 $0x7FFFFFFF, v49;
	v3 =	vadd.f32 v6, v3;
	v16 =	vadd.f32 v2, v16  }
0x93: {  	v48 =	vld [tilespmem:$0x730];
	v6 =	vmul.f32 v9, v46;
	v9 =	vmul.f32 v9, v20;
	v56 =	vand.u32 $0x7FFFFFFF, v51  }
0x94: {  	v57 =	vld [tilespmem:$0x740];
	v47 =	vsub.f32 v19, v47;
	v58 =	vmul.f32 v11, v56;
	v4 =	vadd.f32 v62, v4  }
0x95: {  	v55 =	vld [tilespmem:$0x540];
	v3 =	vadd.f32 v7, v3;
	v62 =	vsub.f32 v32, v63;
	v32 =	vand.u32 $0x7FFFFFFF, v8  }
0x96: {  	v42 =	vld [tilespmem:$0x570];
	v7 =	vand.u32 $0x7FFFFFFF, v47;
	v5 =	vsub.f32 v29, v5;
	v37 =	vsub.f32 v50, v52  }
0x97: {  	v36 =	vld [tilespmem:$0x760];
	v34 =	vmul.f32 v13, v32;
	v52 =	vsub.f32 v28, v31;
	v4 =	vadd.f32 v35, v4  }
0x98: {  	v61 =	vld [tilespmem:$0x7C0];
	v3 =	vadd.f32 v41, v3;
	v53 =	vmul.f32 v10, v7;
	v7 =	vmul.f32 v10, v54  }
0x99: {  	v59 =	vld [tilespmem:$0x5C0];
	v35 =	vsub.f32 v45, v48;
	v5 =	vand.u32 $0x7FFFFFFF, v5;
	v4 =	vadd.f32 v6, v4  }
0x9a: {  	v63 =	vld [tilespmem:$0x550];
	v40 =	vsub.f32 v55, v57;
	v54 =	vand.u32 $0x7FFFFFFF, v52;
	v3 =	vadd.f32 v9, v3  }
0x9b: {  	v33 =	vld [tilespmem:$0x560];
	v57 =	vsub.f32 v42, v44;
	v5 =	vmul.f32 v11, v5;
	v4 =	vadd.f32 v53, v4  }
0x9c: {  	v6 =	vand.u32 $0x7FFFFFFF, v62;
	v3 =	vadd.f32 v7, v3;
	v7 =	vand.u32 $0x7FFFFFFF, v60  }
0x9d: {  	v39 =	vand.u32 $0x7FFFFFFF, v35;
	v7 =	vmul.f32 v12, v7;
	v4 =	vadd.f32 v58, v4  }
0x9e: {  	v38 =	vld [tilespmem:$0x5E0];
	v9 =	vsub.f32 v59, v61;
	v29 =	vmul.f32 v12, v6;
	v3 =	vadd.f32 v5, v3  }
0x9f: {  	v41 =	vld [tilespmem:$0x7E0];
	v6 =	vmul.f32 v13, v30;
	v43 =	vsub.f32 v63, v27;
	v4 =	vadd.f32 v7, v4  }
0xa0: {  	v47 =	vld [tilespmem:$0x5F0];
	v46 =	vand.u32 $0x7FFFFFFF, v9;
	v53 =	vsub.f32 v33, v36;
	v3 =	vadd.f32 v29, v3  }
0xa1: {  	v50 =	vld [tilespmem:$0x7F0];
	v5 =	vmul.f32 v14, v39;
	v4 =	vadd.f32 v6, v4;
	v6 =	vand.u32 $0x7FFFFFFF, v37  }
0xa2: {  	v7 =	vand.u32 $0x7FFFFFFF, v40;
	v3 =	vadd.f32 v34, v3;
	v6 =	vmul.f32 v14, v6  }
0xa3: {  	v48 =	vmul.f32 v15, v46;
	v45 =	vmul.f32 v15, v7;
	v4 =	vadd.f32 v5, v4  }
0xa4: {  	v49 =	vand.u32 $0x7FFFFFFF, v43;
	v55 =	vsub.f32 v38, v41;
	v3 =	vadd.f32 v6, v3  }
0xa5: {  	v51 =	vmul.f32 v2, v49;
	v2 =	vmul.f32 v2, v54;
	v4 =	vadd.f32 v45, v4  }
0xa6: {  	v56 =	vand.u32 $0x7FFFFFFF, v53;
	v58 =	vsub.f32 v47, v50;
	v3 =	vadd.f32 v48, v3  }
0xa7: {  	v7 =	vand.u32 $0x7FFFFFFF, v55;
	v5 =	vmul.f32 v1, v56;
	v4 =	vadd.f32 v51, v4  }
0xa8: {  	v59 =	vmul.f32 v1, v7;
	v6 =	vand.u32 $0x7FFFFFFF, v57;
	v2 =	vadd.f32 v2, v3  }
0xa9: {  	v61 =	vand.u32 $0x7FFFFFFF, v58;
	v60 =	vmul.f32 v0, v6;
	v4 =	vadd.f32 v5, v4  }
0xaa: {  	v62 =	vmul.f32 v0, v61;
	v2 =	vadd.f32 v59, v2  }
0xab: {  	v1 =	vadd.f32 v1, v16;
	v4 =	vadd.f32 v60, v4  }
0xac: {  	v2 =	vadd.f32 v62, v2  }
0xad: {  	v0 =	vadd.f32 v0, v1;
	(v2sf) =	vpush v4, $0x0  }
0xae: {  	(v2sf) =	vpush v2, $0x0  }
0xaf: {  	(v2sf) =	vpush v0, $0x0  }
0xb0: {  	(v2sf) =	vpush v4, $0x1  }
0xb1: {  	(v2sf) =	vpush v2, $0x1  }
0xb2: {  	(v2sf) =	vpush v0, $0x1  }
0xb3: {  	(v2sf) =	vpush v4, $0x2  }
0xb4: {  	(v2sf) =	vpush v2, $0x2  }
0xb5: {  	(v2sf) =	vpush v0, $0x2  }
0xb6: {  	(v2sf) =	vpush v4, $0x3  }
0xb7: {  	(v2sf) =	vpush v2, $0x3  }
0xb8: {  	(v2sf) =	vpush v0, $0x3  }
0xb9: {  	(v2sf) =	vpush v4, $0x4  }
0xba: {  	(v2sf) =	vpush v2, $0x4  }
0xbb: {  	(v2sf) =	vpush v0, $0x4  }
0xbc: {  	s20 =	spop (v2sf);
	(v2sf) =	vpush v4, $0x5  }
0xbd: {  	s21 =	spop (v2sf);
	(v2sf) =	vpush v2, $0x5  }
0xbe: {  	s22 =	spop (v2sf);
	(v2sf) =	vpush v0, $0x5  }
0xbf: {  	s5 =	sadd.f32 $0.0e+00, s20;
	s23 =	spop (v2sf);
	(v2sf) =	vpush v4, $0x6  }
0xc0: {  	s6 =	sadd.f32 $0.0e+00, s21;
	s24 =	spop (v2sf);
	(v2sf) =	vpush v2, $0x6  }
0xc1: {  	s5 =	sadd.f32 s5, s23;
	s25 =	spop (v2sf);
	(v2sf) =	vpush v0, $0x6  }
0xc2: {  	s6 =	sadd.f32 s6, s24;
	s26 =	spop (v2sf);
	(v2sf) =	vpush v4, $0x7  }
0xc3: {  	s7 =	sadd.f32 s25, s22;
	s28 =	spop (v2sf);
	(v2sf) =	vpush v2, $0x7  }
0xc4: {  	s5 =	sadd.f32 s5, s26;
	s29 =	spop (v2sf);
	(v2sf) =	vpush v0, $0x7  }
0xc5: {  	s6 =	sadd.f32 s6, s28;
	s30 =	spop (v2sf);
	(v2sf) =	vpush v4, $0x8  }
0xc6: {  	s7 =	sadd.f32 s7, s29;
	s31 =	spop (v2sf);
	(v2sf) =	vpush v2, $0x8  }
0xc7: {  	s5 =	sadd.f32 s5, s30;
	s10 =	spop (v2sf);
	(v2sf) =	vpush v0, $0x8  }
0xc8: {  	s6 =	sadd.f32 s6, s31;
	s11 =	spop (v2sf);
	(v2sf) =	vpush v4, $0x9  }
0xc9: {  	s7 =	sadd.f32 s7, s10;
	s12 =	spop (v2sf);
	(v2sf) =	vpush v2, $0x9  }
0xca: {  	s5 =	sadd.f32 s5, s11;
	s13 =	spop (v2sf);
	(v2sf) =	vpush v0, $0x9  }
0xcb: {  	s6 =	sadd.f32 s6, s12;
	s14 =	spop (v2sf);
	(v2sf) =	vpush v4, $0xA  }
0xcc: {  	s7 =	sadd.f32 s7, s13;
	s15 =	spop (v2sf);
	(v2sf) =	vpush v2, $0xA  }
0xcd: {  	s5 =	sadd.f32 s5, s14;
	s16 =	spop (v2sf);
	(v2sf) =	vpush v0, $0xA  }
0xce: {  	s6 =	sadd.f32 s6, s15;
	s17 =	spop (v2sf);
	(v2sf) =	vpush v4, $0xB  }
0xcf: {  	s7 =	sadd.f32 s7, s16;
	s18 =	spop (v2sf);
	(v2sf) =	vpush v2, $0xB  }
0xd0: {  	s5 =	sadd.f32 s5, s17;
	s19 =	spop (v2sf);
	(v2sf) =	vpush v0, $0xB  }
0xd1: {  	s6 =	sadd.f32 s6, s18;
	s20 =	spop (v2sf);
	(v2sf) =	vpush v4, $0xC  }
0xd2: {  	s7 =	sadd.f32 s7, s19;
	s21 =	spop (v2sf);
	(v2sf) =	vpush v2, $0xC  }
0xd3: {  	s5 =	sadd.f32 s5, s20;
	s22 =	spop (v2sf);
	(v2sf) =	vpush v0, $0xC  }
0xd4: {  	s6 =	sadd.f32 s6, s21;
	s23 =	spop (v2sf);
	(v2sf) =	vpush v4, $0xD  }
0xd5: {  	s7 =	sadd.f32 s7, s22;
	s24 =	spop (v2sf);
	(v2sf) =	vpush v2, $0xD  }
0xd6: {  	s5 =	sadd.f32 s5, s23;
	s25 =	spop (v2sf);
	(v2sf) =	vpush v0, $0xD  }
0xd7: {  	s6 =	sadd.f32 s6, s24;
	s26 =	spop (v2sf);
	(v2sf) =	vpush v4, $0xE  }
0xd8: {  	s7 =	sadd.f32 s7, s25;
	s28 =	spop (v2sf);
	(v2sf) =	vpush v2, $0xE  }
0xd9: {  	s5 =	sadd.f32 s5, s26;
	s29 =	spop (v2sf);
	(v2sf) =	vpush v0, $0xE  }
0xda: {  	s6 =	sadd.f32 s6, s28;
	s30 =	spop (v2sf);
	(v2sf) =	vpush v4, $0xF  }
0xdb: {  	s7 =	sadd.f32 s7, s29;
	s31 =	spop (v2sf)  }
0xdc: {  	s5 =	sadd.f32 s5, s30;
	(v2sf) =	vpush v2, $0xF;
	s11 =	spop (v2sf)  }
0xdd: {  	s6 =	sadd.f32 s6, s31;
	(v2sf) =	vpush v0, $0xF;
	s12 =	spop (v2sf)  }
0xde: {  	s7 =	sadd.f32 s7, s11;
	s13 =	spop (v2sf)  }
0xdf: {  	s5 =	sadd.f32 s5, s12;
	s14 =	spop (v2sf)  }
0xe0: {  	s6 =	sadd.f32 s6, s13;
	s15 =	spop (v2sf)  }
0xe1: {  	s7 =	sadd.f32 s7, s14;
	s16 =	spop (v2sf)  }
0xe2: {  	s5 =	sadd.f32 s5, s15;
	s17 =	spop (v2sf)  }
0xe3: {  	s6 =	sadd.f32 s6, s16;
	s18 =	spop (v2sf)  }
0xe4: {  	s7 =	sadd.f32 s7, s17;
	s19 =	spop (v2sf)  }
0xe5: {  	s5 =	sadd.f32 s5, s18;
	s20 =	spop (v2sf)  }
0xe6: {  	s6 =	sadd.f32 s6, s19;
	s21 =	spop (v2sf)  }
0xe7: {  	s7 =	sadd.f32 s7, s20;
	s22 =	spop (v2sf)  }
0xe8: {  	s5 =	sadd.f32 s5, s21;
	s23 =	spop (v2sf)  }
0xe9: {  	s6 =	sadd.f32 s6, s22;
	s24 =	spop (v2sf)  }
0xea: {  	s5 =	sadd.f32 s5, s24  }
0xeb: {  	s7 =	sadd.f32 s7, s23;
	s25 =	spop (v2sf)  }
0xec: {  	vm0 =	vcmask $0x300;
	s6 =	sadd.f32 s6, s25;
	s26 =	spop (v2sf);
	v63 =	vmov s5  }
0xed: {  	vm14 =	vcmask $0x704;
	s28 =	sadd.f32 s7, s26;
	v0 =	vnsel vm0, $0x0, v63  }
0xee: {  	vm15 =	vcmask $0xB08;
	v0 =	vsel vm14, s6, v0  }
0xef: {  	v0 =	vsel vm15, s28, v0  }
0xf0: {  	s29 =	simm.s32 $0x880;
	s30 =	simm.s32 $0x800;
	s31 =	simm.s32 $0x4;
	[tilespmem:$0x800] =	vst v0  }
0xf1: {  	[spmem:s3] =	stream.indirect.scatter.add.f32 [tilespmem:s30], [sflag:$0x4], $0x10, s29, s4, $0xb8;
	[tilespmem:$0xA08] =	vst v63  }
0xf2: {  	_ =	swait.ge [sflag:s31], $0x10  }
0xf3: {  	[sflag:s31] =	ssyncset.done $0x0  }
0xf4: {  	[sflag:s31] =	ssyncadd.s32 $0xFFFFFFF0  }
0xf5: {  	[bflag:$0x0] =	sbarrier.arrive $0xFFFF  }
0xf6: {  	_ =	sfence.sel @p0 $0x180000  }
0xf7: {  	[bflag:$0x0] =	sbarrier.arrive @p0 $0xFFFF  }
0xf8: {  	_ =	strace @p0 $0x90000047  }
0xf9: {  	s4 =	simm.s32 @!p0 $0x900;
	[bflag:$0x2] =	sbarrier.arrive @p0 $0xFFFF  }
0xfa: {  	[tilespmem:s4], [sflag:$0x4] =	stream.linear.gather @!p0 [spmem:s3], $0x80, $0x38;
	[tilespmem:$0xA08] =	vst v63  }
0xfb: {  	_ =	swait.ge @!p0 [sflag:s2], $0x80  }
0xfc: {  	[sflag:s2] =	ssyncset.done @!p0 $0x0  }
0xfd: {  	[sflag:s2] =	ssyncadd.s32 @!p0 $0xFFFFFF80  }
0xfe: {  	v0 =	vld @!p0 [tilespmem:$0x900];
	_ =	sdelay $0x4  }
0xff: {  	(v2sf) =	vpush @!p0 v0, $0x2;
	_ =	sdelay $0xe  }
0x100: {  	s3 =	spop @!p0 (v2sf)  }
0x101: {  	s3 =	sadd.f32 @!p0 $9.999999740e-05, s3;
	_ =	sdelay $0x1  }
0x102: {  	v1 =	vmov @!p0 s3  }
0x103: {  	(erf) = vrcp.f32 @!p0 v1;
	_ =	sdelay $0x7  }
0x104: {  	vm0 =	vmmov @!p0 $0x3  }
0x105: {  	v0 =	vnsel @!p0 vm0, $0x0, v0;
	v1 =	vpop @!p0 (erf)  }
0x106: {  	v0 =	vmul.f32 @!p0 v1, v0;
	_ =	sdelay $0x1  }
0x107: {  	s4 =	simm.s32 @!p0 $0x980;
	s3 =	simm.s32 @!p0 $0x0;
	[tilespmem:$0x980] =	vst @!p0 v0  }
0x108: {  	[hbm4b:s1+s3] =	stream.linear.scatter @!p0 [tilespmem:s4], [sflag:$0x4], $0x2, $0x38;
	[tilespmem:$0xA08] =	vst v63  }
0x109: {  	_ =	swait.ge @!p0 [sflag:s2], $0x2  }
0x10a: {  	[sflag:s2] =	ssyncset.done @!p0 $0x0  }
0x10b: {  	[sflag:s2] =	ssyncadd.s32 @!p0 $0xFFFFFFFE  }
0x10c: {  	_ =	sfence.sel @!p0 $0x180000  }
0x10d: {  	[bflag:$0x0] =	sbarrier.arrive @!p0 $0xFFFF  }
0x10e: {  	_ =	strace @!p0 $0x90000047  }
0x10f: {  	s0 =	sadd.s32 @!p0 $0x100000, s0;
	[bflag:$0x2] =	sbarrier.arrive @!p0 $0xFFFF  }
0x110: {  	[sflag:s0] =	ssyncadd.tile.s32 @!p0 $0x1;
	_ =	shalt  }
.Lfunc_end2:
_tile_overlayer_lowered:
.L_overlay_start_2:
0x111: {  	(tag) =	ssettag $0x2  }
0x112: {  	s0 =	rddreg [dreg:$0x0];
	s2 =	stileid.u32  }
0x113: {  	s1 =	rddreg [dreg:$0x1];
	p0 =	sne.s32 s2, $0x0  }
0x114: {  	s3 =	rddreg [dreg:$0x2];
	[bflag:$0x3] =	sbarrier.arrive $0xFFFF;
	s2 =	simm.s32 @!p0 $0x1C04  }
0x115: {  	[timem:s3], [sflag:s2] =	dma.local @!p0 [hbm:s0], s1  }
0x116: {  	s0 =	simm.s32 @!p0 $0x4  }
0x117: {  	_ =	swait.ge @!p0 [sflag:s0], s1  }
0x118: {  	s1 =	ssub.s32 @!p0 $0x0, s1;
	[sflag:s0] =	ssyncset.done @!p0 $0x0  }
0x119: {  	[sflag:s0] =	ssyncadd.s32 @!p0 s1  }
0x11a: {  	[bflag:$0x3] =	sbarrier.arrive $0xFFFF  }
0x11b: {  	_ =	shalt  }

</sc_bundles>
